<compile_context>
chip_gen: v7x
topology: tpu7x:2x2x1
jax: 0.10.2.dev20260603
libtpu: 0.0.44.dev20260713+nightly
codegen_flags: <defaults>
</compile_context>

<pallas_src>
import functools

import jax
import jax.numpy as jnp
from jax import lax
from jax.experimental import pallas as pl
from jax.experimental.pallas import tpu as pltpu
from jax.experimental.pallas import tpu_sc as plsc

_NC = 2
_NS = 16
_NW = _NC * _NS

_K = 128


def _sc_gather(table, idx1, ch, n, d):
    mesh = plsc.VectorSubcoreMesh(core_axis_name="c", subcore_axis_name="s")

    @functools.partial(
        pl.kernel,
        out_type=jax.ShapeDtypeStruct((n, d), jnp.float32),
        mesh=mesh,
        scratch_types=[
            pltpu.VMEM((2, _K), jnp.int32),
            pltpu.VMEM((2, _K, 64), jnp.float32),
        ] + [pltpu.SemaphoreType.DMA] * 6,
    )
    def k(table_hbm, idx_hbm, out_hbm, ivec, rows, *sems):
        sem_idx = sems[0:2]
        sem_gat = sems[2:4]
        sem_st = sems[4:6]
        wid = lax.axis_index("s") * _NC + lax.axis_index("c")
        base = wid * (ch * _K)

        def stage_idx(j, b):
            pltpu.async_copy(idx_hbm.at[pl.ds(base + j * _K, _K)],
                             ivec.at[b], sem_idx[b])

        def fire_gather(b):
            @pl.loop(0, _K // 16)
            def _(q):
                v = ivec[b, pl.ds(q * 16, 16)]
                for l in range(16):
                    pltpu.async_copy(
                        table_hbm.at[v[l]], rows.at[b, q * 16 + l],
                        sem_gat[b],
                    )

        def wait_gather(b):
            pltpu.make_async_copy(
                table_hbm.at[pl.ds(0, _K)], rows.at[b], sem_gat[b]).wait()

        def store(j, b):
            pltpu.async_copy(rows.at[b],
                             out_hbm.at[pl.ds(base + j * _K, _K)], sem_st[b])

        def wait_store(b):
            pltpu.make_async_copy(
                rows.at[b], out_hbm.at[pl.ds(0, _K)], sem_st[b]).wait()

        stage_idx(0, 0)
        pltpu.make_async_copy(
            idx_hbm.at[pl.ds(0, _K)], ivec.at[0], sem_idx[0]).wait()
        fire_gather(0)
        stage_idx(1, 1)

        @pl.loop(0, ch, step=2)
        def _(g):
            for b in range(2):
                j = g + b
                o = 1 - b
                @pl.when(j + 1 < ch)
                def _():
                    pltpu.make_async_copy(
                        idx_hbm.at[pl.ds(0, _K)], ivec.at[o],
                        sem_idx[o]).wait()
                    @pl.when(j + 1 >= 2)
                    def _():
                        wait_store(o)
                    fire_gather(o)
                @pl.when(j + 2 < ch)
                def _():
                    stage_idx(j + 2, b)
                wait_gather(b)
                store(j, b)

        for b in range(2):
            wait_store(b)

    return k(table, idx1)


def _tc_mlp(h, extraT, wf, weT, bb, n):
    tb = 16384

    def body(h_ref, x_ref, w_ref, we_ref, b_ref, o_ref):
        acc = lax.dot_general(w_ref[...], h_ref[...],
                              (((0,), (1,)), ((), ())),
                              preferred_element_type=jnp.float32)
        acc += lax.dot_general(we_ref[...], x_ref[...],
                               (((0,), (0,)), ((), ())),
                               preferred_element_type=jnp.float32)
        o_ref[...] = acc + b_ref[...]

    return pl.pallas_call(
        body,
        grid=(n // tb,),
        in_specs=[
            pl.BlockSpec((tb, 64), lambda i: (i, 0)),
            pl.BlockSpec((16, tb), lambda i: (0, i)),
            pl.BlockSpec((64, 64), lambda i: (0, 0)),
            pl.BlockSpec((16, 64), lambda i: (0, 0)),
            pl.BlockSpec((64, 1), lambda i: (0, 0)),
        ],
        out_specs=pl.BlockSpec((64, tb), lambda i: (0, i)),
        out_shape=jax.ShapeDtypeStruct((64, n), jnp.float32),
        compiler_params=pltpu.CompilerParams(
            dimension_semantics=("arbitrary",),
        ),
    )(h, extraT, wf, weT, bb)


def kernel(x, extra_features, table, W, b):
    idx = x.reshape(-1).astype(jnp.int32)
    n = idx.shape[0]
    d = table.shape[1]
    ch = n // (_NW * _K)

    h = _sc_gather(table, idx, ch, n, d)
    extraT = extra_features.T

    wf = W[:d]
    weT = W[d:]
    bb = b.reshape(d, 1)

    outT = _tc_mlp(h, extraT, wf, weT, bb, n)
    return outT.T

# --- scband reference (transcript-rebuilt; emitter-appended) ---
"""Pipeline reference for scband-word-encoder-2319282340540 (READ-ONLY COPY).

The authoritative reference and input builder live on the scoring server;
editing this copy changes nothing except your own understanding.
"""

import jax, jax.numpy as jnp
import numpy as np

NUM_EMB = 1000000
EMB_DIM = 64
EXTRA = 16
B = 16384
L = 20
N = B * L  # 327680 flattened tokens


def setup_inputs(seed: int = 0) -> dict:
    key = jax.random.key(seed)
    k1, k2, k3, k4, k5 = jax.random.split(key, 5)
    x = jax.random.randint(k1, (B, L), 0, NUM_EMB, dtype=jnp.int64) if jax.config.jax_enable_x64 else jax.random.randint(k1, (B, L), 0, NUM_EMB, dtype=jnp.int32)
    extra_features = jax.random.normal(k2, (N, EXTRA), dtype=jnp.float32)
    # learned parameters
    table = jax.random.normal(k3, (NUM_EMB, EMB_DIM), dtype=jnp.float32)
    # MLPEncoder with num_layers=1: single Linear(input_dim=EMB_DIM+EXTRA, output_dim=EMB_DIM)
    W = jax.random.normal(k4, (EMB_DIM + EXTRA, EMB_DIM), dtype=jnp.float32) * (1.0 / np.sqrt(EMB_DIM + EXTRA))
    b = jax.random.normal(k5, (EMB_DIM,), dtype=jnp.float32) * 0.01
    return {"x": x, "extra_features": extra_features, "table": table, "W": W, "b": b}


def reference(x, extra_features, table, W, b):
    # x = self.encoder(x.reshape(-1))  -> embedding gather
    idx = x.reshape(-1)
    emb = jnp.take(table, idx, axis=0)  # [N, EMB_DIM]
    # extra_features > 0: concat along dim 1
    h = jnp.concatenate((emb, extra_features), axis=1)  # [N, EMB_DIM+EXTRA]
    # MLP (single linear layer; dropout is identity in eval)
    out = h @ W + b  # [N, EMB_DIM]
    return out

if __name__ == "__main__":
    import jax
    _d = setup_inputs()
    print(jax.jit(kernel)(*tuple(_d.values())))

</pallas_src>

<mosaic_0001>
#map = affine_map<(d0, d1) -> (0, 0)>
#map1 = affine_map<(d0, d1) -> (0)>
module attributes {stable_mosaic.version = 14 : i64} {
  func.func @k(%arg0: i32, %arg1: i32, %arg2: memref<1000000x64xf32, #tpu.memory_space<hbm>>, %arg3: memref<327680xi32, #tpu.memory_space<hbm>>, %arg4: memref<327680x64xf32, #tpu.memory_space<hbm>>, %arg5: memref<2x128xi32, #tpu.memory_space<vmem>>, %arg6: memref<2x128x64xf32, #tpu.memory_space<vmem>>, %arg7: memref<!tpu.dma_semaphore, #tpu.memory_space<semaphore_mem>>, %arg8: memref<!tpu.dma_semaphore, #tpu.memory_space<semaphore_mem>>, %arg9: memref<!tpu.dma_semaphore, #tpu.memory_space<semaphore_mem>>, %arg10: memref<!tpu.dma_semaphore, #tpu.memory_space<semaphore_mem>>, %arg11: memref<!tpu.dma_semaphore, #tpu.memory_space<semaphore_mem>>, %arg12: memref<!tpu.dma_semaphore, #tpu.memory_space<semaphore_mem>>) attributes {dimension_semantics = [#tpu.dimension_semantics<core_parallel>, #tpu.dimension_semantics<subcore_parallel>], iteration_bounds = array<i64: 2, 16>, scalar_prefetch = 0 : i64, scratch_operands = 8 : i64, tpu.core_type = #tpu.core_type<sc_vector_subcore>, window_params = [{transform_indices = #map}, {transform_indices = #map1}, {transform_indices = #map}]} {
    %mul3A = arith.constant 2 : i32
    %mul3A_0 = arith.muli %arg1, %mul3A : i32
    %add3A = arith.addi %mul3A_0, %arg0 : i32
    %mul3A_1 = arith.constant 10240 : i32
    %mul3A_2 = arith.muli %add3A, %mul3A_1 : i32
    %add3A_3 = arith.constant 0 : i32
    %add3A_4 = arith.addi %mul3A_2, %add3A_3 : i32
    %dma_start3A = arith.constant 0 : i32
    %dma_start3A_5 = arith.constant 0 : i32
    %dma_start3A_6 = tpu.memref_slice %arg5[%dma_start3A, %dma_start3A_5] : memref<2x128xi32, #tpu.memory_space<vmem>> -> memref<1x128xi32, #tpu.memory_space<vmem>>
    %dma_start3A_7 = tpu.memref_squeeze %dma_start3A_6 : memref<1x128xi32, #tpu.memory_space<vmem>> -> memref<128xi32, #tpu.memory_space<vmem>>
    %dma_start3A_8 = tpu.memref_slice %arg3[%add3A_4] : memref<327680xi32, #tpu.memory_space<hbm>> -> memref<128xi32, #tpu.memory_space<hbm>>
    %dma_start3A_9 = arith.constant 0 : i32
    %dma_start3A_10 = tpu.memref_slice %arg5[%dma_start3A, %dma_start3A_9] : memref<2x128xi32, #tpu.memory_space<vmem>> -> memref<1x128xi32, #tpu.memory_space<vmem>>
    %dma_start3A_11 = tpu.memref_squeeze %dma_start3A_10 : memref<1x128xi32, #tpu.memory_space<vmem>> -> memref<128xi32, #tpu.memory_space<vmem>>
    %dma_start3A_12 = tpu.memref_slice %arg3[%add3A_4] : memref<327680xi32, #tpu.memory_space<hbm>> -> memref<128xi32, #tpu.memory_space<hbm>>
    tpu.enqueue_dma source(%dma_start3A_12 : memref<128xi32, #tpu.memory_space<hbm>>) target(%dma_start3A_11 : memref<128xi32, #tpu.memory_space<vmem>>) target_semaphore(%arg7 : memref<!tpu.dma_semaphore, #tpu.memory_space<semaphore_mem>>)
    %dma_wait3A = arith.constant 0 : i32
    %dma_wait3A_13 = arith.constant 0 : i32
    %dma_wait3A_14 = tpu.memref_slice %arg5[%dma_wait3A, %dma_wait3A_13] : memref<2x128xi32, #tpu.memory_space<vmem>> -> memref<1x128xi32, #tpu.memory_space<vmem>>
    %dma_wait3A_15 = tpu.memref_squeeze %dma_wait3A_14 : memref<1x128xi32, #tpu.memory_space<vmem>> -> memref<128xi32, #tpu.memory_space<vmem>>
    %dma_wait3A_16 = arith.constant 0 : i32
    %dma_wait3A_17 = tpu.memref_slice %arg3[%dma_wait3A_16] : memref<327680xi32, #tpu.memory_space<hbm>> -> memref<128xi32, #tpu.memory_space<hbm>>
    %dma_wait3A_18 = arith.constant 0 : i32
    %dma_wait3A_19 = tpu.memref_slice %arg5[%dma_wait3A, %dma_wait3A_18] : memref<2x128xi32, #tpu.memory_space<vmem>> -> memref<1x128xi32, #tpu.memory_space<vmem>>
    %dma_wait3A_20 = tpu.memref_squeeze %dma_wait3A_19 : memref<1x128xi32, #tpu.memory_space<vmem>> -> memref<128xi32, #tpu.memory_space<vmem>>
    %dma_wait3A_21 = arith.constant 0 : i32
    %dma_wait3A_22 = tpu.memref_slice %arg3[%dma_wait3A_21] : memref<327680xi32, #tpu.memory_space<hbm>> -> memref<128xi32, #tpu.memory_space<hbm>>
    tpu.wait_dma2 semaphore(%arg7 : memref<!tpu.dma_semaphore, #tpu.memory_space<semaphore_mem>>) src(%dma_wait3A_22 : memref<128xi32, #tpu.memory_space<hbm>>) dst(%dma_wait3A_20 : memref<128xi32, #tpu.memory_space<vmem>>)
    %scan3A = arith.constant 0 : i32
    %scan3A_23 = arith.constant 8 : i32
    %scan3A_24 = arith.addi %scan3A, %scan3A_23 : i32
    %scan3A_25 = arith.constant 1 : i32
    scf.for %scan3A_73 = %scan3A to %scan3A_24 step %scan3A_25  : i32 {
      %mul3A_74 = arith.constant 1 : i32
      %mul3A_75 = arith.muli %scan3A_73, %mul3A_74 : i32
      %add3A_76 = arith.constant 0 : i32
      %add3A_77 = arith.addi %add3A_76, %mul3A_75 : i32
      %mul3A_78 = arith.constant 16 : i32
      %mul3A_79 = arith.muli %add3A_77, %mul3A_78 : i32
      %get3A = arith.constant 0 : i32
      %get3A_80 = arith.index_cast %get3A : i32 to index
      %get3A_81 = arith.index_cast %mul3A_79 : i32 to index
      %get3A_82 = tpu.vector_load %arg5[%get3A_80, %get3A_81] {strides = array<i32>} : memref<2x128xi32, #tpu.memory_space<vmem>>, vector<1x16xi32>,
      %get3A_83 = vector.shape_cast %get3A_82 : vector<1x16xi32> to vector<16xi32>
      %slice3A = vector.extract_strided_slice %get3A_83 {offsets = [0], sizes = [1], strides = [1]} : vector<16xi32> to vector<1xi32>
      %squeeze3A = vector.extract %slice3A[0] : i32 from vector<1xi32>
      %mul3A_84 = arith.constant 16 : i32
      %mul3A_85 = arith.muli %add3A_77, %mul3A_84 : i32
      %add3A_86 = arith.constant 0 : i32
      %add3A_87 = arith.addi %mul3A_85, %add3A_86 : i32
      %dma_start3A_88 = arith.constant 0 : i32
      %dma_start3A_89 = arith.constant 0 : i32
      %dma_start3A_90 = tpu.memref_slice %arg6[%dma_start3A_88, %add3A_87, %dma_start3A_89] : memref<2x128x64xf32, #tpu.memory_space<vmem>> -> memref<1x1x64xf32, #tpu.memory_space<vmem>>
      %dma_start3A_91 = tpu.memref_squeeze %dma_start3A_90 : memref<1x1x64xf32, #tpu.memory_space<vmem>> -> memref<64xf32, #tpu.memory_space<vmem>>
      %dma_start3A_92 = arith.constant 0 : i32
      %dma_start3A_93 = tpu.memref_slice %arg2[%squeeze3A, %dma_start3A_92] : memref<1000000x64xf32, #tpu.memory_space<hbm>> -> memref<1x64xf32, #tpu.memory_space<hbm>>
      %dma_start3A_94 = tpu.memref_squeeze %dma_start3A_93 : memref<1x64xf32, #tpu.memory_space<hbm>> -> memref<64xf32, #tpu.memory_space<hbm>>
      %dma_start3A_95 = arith.constant 0 : i32
      %dma_start3A_96 = tpu.memref_slice %arg6[%dma_start3A_88, %add3A_87, %dma_start3A_95] : memref<2x128x64xf32, #tpu.memory_space<vmem>> -> memref<1x1x64xf32, #tpu.memory_space<vmem>>
      %dma_start3A_97 = tpu.memref_squeeze %dma_start3A_96 : memref<1x1x64xf32, #tpu.memory_space<vmem>> -> memref<64xf32, #tpu.memory_space<vmem>>
      %dma_start3A_98 = arith.constant 0 : i32
      %dma_start3A_99 = tpu.memref_slice %arg2[%squeeze3A, %dma_start3A_98] : memref<1000000x64xf32, #tpu.memory_space<hbm>> -> memref<1x64xf32, #tpu.memory_space<hbm>>
      %dma_start3A_100 = tpu.memref_squeeze %dma_start3A_99 : memref<1x64xf32, #tpu.memory_space<hbm>> -> memref<64xf32, #tpu.memory_space<hbm>>
      tpu.enqueue_dma source(%dma_start3A_100 : memref<64xf32, #tpu.memory_space<hbm>>) target(%dma_start3A_97 : memref<64xf32, #tpu.memory_space<vmem>>) target_semaphore(%arg9 : memref<!tpu.dma_semaphore, #tpu.memory_space<semaphore_mem>>)
      %slice3A_101 = vector.extract_strided_slice %get3A_83 {offsets = [1], sizes = [1], strides = [1]} : vector<16xi32> to vector<1xi32>
      %squeeze3A_102 = vector.extract %slice3A_101[0] : i32 from vector<1xi32>
      %mul3A_103 = arith.constant 16 : i32
      %mul3A_104 = arith.muli %add3A_77, %mul3A_103 : i32
      %add3A_105 = arith.constant 1 : i32
      %add3A_106 = arith.addi %mul3A_104, %add3A_105 : i32
      %dma_start3A_107 = arith.constant 0 : i32
      %dma_start3A_108 = arith.constant 0 : i32
      %dma_start3A_109 = tpu.memref_slice %arg6[%dma_start3A_107, %add3A_106, %dma_start3A_108] : memref<2x128x64xf32, #tpu.memory_space<vmem>> -> memref<1x1x64xf32, #tpu.memory_space<vmem>>
      %dma_start3A_110 = tpu.memref_squeeze %dma_start3A_109 : memref<1x1x64xf32, #tpu.memory_space<vmem>> -> memref<64xf32, #tpu.memory_space<vmem>>
      %dma_start3A_111 = arith.constant 0 : i32
      %dma_start3A_112 = tpu.memref_slice %arg2[%squeeze3A_102, %dma_start3A_111] : memref<1000000x64xf32, #tpu.memory_space<hbm>> -> memref<1x64xf32, #tpu.memory_space<hbm>>
      %dma_start3A_113 = tpu.memref_squeeze %dma_start3A_112 : memref<1x64xf32, #tpu.memory_space<hbm>> -> memref<64xf32, #tpu.memory_space<hbm>>
      %dma_start3A_114 = arith.constant 0 : i32
      %dma_start3A_115 = tpu.memref_slice %arg6[%dma_start3A_107, %add3A_106, %dma_start3A_114] : memref<2x128x64xf32, #tpu.memory_space<vmem>> -> memref<1x1x64xf32, #tpu.memory_space<vmem>>
      %dma_start3A_116 = tpu.memref_squeeze %dma_start3A_115 : memref<1x1x64xf32, #tpu.memory_space<vmem>> -> memref<64xf32, #tpu.memory_space<vmem>>
      %dma_start3A_117 = arith.constant 0 : i32
      %dma_start3A_118 = tpu.memref_slice %arg2[%squeeze3A_102, %dma_start3A_117] : memref<1000000x64xf32, #tpu.memory_space<hbm>> -> memref<1x64xf32, #tpu.memory_space<hbm>>
      %dma_start3A_119 = tpu.memref_squeeze %dma_start3A_118 : memref<1x64xf32, #tpu.memory_space<hbm>> -> memref<64xf32, #tpu.memory_space<hbm>>
      tpu.enqueue_dma source(%dma_start3A_119 : memref<64xf32, #tpu.memory_space<hbm>>) target(%dma_start3A_116 : memref<64xf32, #tpu.memory_space<vmem>>) target_semaphore(%arg9 : memref<!tpu.dma_semaphore, #tpu.memory_space<semaphore_mem>>)
      %slice3A_120 = vector.extract_strided_slice %get3A_83 {offsets = [2], sizes = [1], strides = [1]} : vector<16xi32> to vector<1xi32>
      %squeeze3A_121 = vector.extract %slice3A_120[0] : i32 from vector<1xi32>
      %mul3A_122 = arith.constant 16 : i32
      %mul3A_123 = arith.muli %add3A_77, %mul3A_122 : i32
      %add3A_124 = arith.constant 2 : i32
      %add3A_125 = arith.addi %mul3A_123, %add3A_124 : i32
      %dma_start3A_126 = arith.constant 0 : i32
      %dma_start3A_127 = arith.constant 0 : i32
      %dma_start3A_128 = tpu.memref_slice %arg6[%dma_start3A_126, %add3A_125, %dma_start3A_127] : memref<2x128x64xf32, #tpu.memory_space<vmem>> -> memref<1x1x64xf32, #tpu.memory_space<vmem>>
      %dma_start3A_129 = tpu.memref_squeeze %dma_start3A_128 : memref<1x1x64xf32, #tpu.memory_space<vmem>> -> memref<64xf32, #tpu.memory_space<vmem>>
      %dma_start3A_130 = arith.constant 0 : i32
      %dma_start3A_131 = tpu.memref_slice %arg2[%squeeze3A_121, %dma_start3A_130] : memref<1000000x64xf32, #tpu.memory_space<hbm>> -> memref<1x64xf32, #tpu.memory_space<hbm>>
      %dma_start3A_132 = tpu.memref_squeeze %dma_start3A_131 : memref<1x64xf32, #tpu.memory_space<hbm>> -> memref<64xf32, #tpu.memory_space<hbm>>
      %dma_start3A_133 = arith.constant 0 : i32
      %dma_start3A_134 = tpu.memref_slice %arg6[%dma_start3A_126, %add3A_125, %dma_start3A_133] : memref<2x128x64xf32, #tpu.memory_space<vmem>> -> memref<1x1x64xf32, #tpu.memory_space<vmem>>
      %dma_start3A_135 = tpu.memref_squeeze %dma_start3A_134 : memref<1x1x64xf32, #tpu.memory_space<vmem>> -> memref<64xf32, #tpu.memory_space<vmem>>
      %dma_start3A_136 = arith.constant 0 : i32
      %dma_start3A_137 = tpu.memref_slice %arg2[%squeeze3A_121, %dma_start3A_136] : memref<1000000x64xf32, #tpu.memory_space<hbm>> -> memref<1x64xf32, #tpu.memory_space<hbm>>
      %dma_start3A_138 = tpu.memref_squeeze %dma_start3A_137 : memref<1x64xf32, #tpu.memory_space<hbm>> -> memref<64xf32, #tpu.memory_space<hbm>>
      tpu.enqueue_dma source(%dma_start3A_138 : memref<64xf32, #tpu.memory_space<hbm>>) target(%dma_start3A_135 : memref<64xf32, #tpu.memory_space<vmem>>) target_semaphore(%arg9 : memref<!tpu.dma_semaphore, #tpu.memory_space<semaphore_mem>>)
      %slice3A_139 = vector.extract_strided_slice %get3A_83 {offsets = [3], sizes = [1], strides = [1]} : vector<16xi32> to vector<1xi32>
      %squeeze3A_140 = vector.extract %slice3A_139[0] : i32 from vector<1xi32>
      %mul3A_141 = arith.constant 16 : i32
      %mul3A_142 = arith.muli %add3A_77, %mul3A_141 : i32
      %add3A_143 = arith.constant 3 : i32
      %add3A_144 = arith.addi %mul3A_142, %add3A_143 : i32
      %dma_start3A_145 = arith.constant 0 : i32
      %dma_start3A_146 = arith.constant 0 : i32
      %dma_start3A_147 = tpu.memref_slice %arg6[%dma_start3A_145, %add3A_144, %dma_start3A_146] : memref<2x128x64xf32, #tpu.memory_space<vmem>> -> memref<1x1x64xf32, #tpu.memory_space<vmem>>
      %dma_start3A_148 = tpu.memref_squeeze %dma_start3A_147 : memref<1x1x64xf32, #tpu.memory_space<vmem>> -> memref<64xf32, #tpu.memory_space<vmem>>
      %dma_start3A_149 = arith.constant 0 : i32
      %dma_start3A_150 = tpu.memref_slice %arg2[%squeeze3A_140, %dma_start3A_149] : memref<1000000x64xf32, #tpu.memory_space<hbm>> -> memref<1x64xf32, #tpu.memory_space<hbm>>
      %dma_start3A_151 = tpu.memref_squeeze %dma_start3A_150 : memref<1x64xf32, #tpu.memory_space<hbm>> -> memref<64xf32, #tpu.memory_space<hbm>>
      %dma_start3A_152 = arith.constant 0 : i32
      %dma_start3A_153 = tpu.memref_slice %arg6[%dma_start3A_145, %add3A_144, %dma_start3A_152] : memref<2x128x64xf32, #tpu.memory_space<vmem>> -> memref<1x1x64xf32, #tpu.memory_space<vmem>>
      %dma_start3A_154 = tpu.memref_squeeze %dma_start3A_153 : memref<1x1x64xf32, #tpu.memory_space<vmem>> -> memref<64xf32, #tpu.memory_space<vmem>>
      %dma_start3A_155 = arith.constant 0 : i32
      %dma_start3A_156 = tpu.memref_slice %arg2[%squeeze3A_140, %dma_start3A_155] : memref<1000000x64xf32, #tpu.memory_space<hbm>> -> memref<1x64xf32, #tpu.memory_space<hbm>>
      %dma_start3A_157 = tpu.memref_squeeze %dma_start3A_156 : memref<1x64xf32, #tpu.memory_space<hbm>> -> memref<64xf32, #tpu.memory_space<hbm>>
      tpu.enqueue_dma source(%dma_start3A_157 : memref<64xf32, #tpu.memory_space<hbm>>) target(%dma_start3A_154 : memref<64xf32, #tpu.memory_space<vmem>>) target_semaphore(%arg9 : memref<!tpu.dma_semaphore, #tpu.memory_space<semaphore_mem>>)
      %slice3A_158 = vector.extract_strided_slice %get3A_83 {offsets = [4], sizes = [1], strides = [1]} : vector<16xi32> to vector<1xi32>
      %squeeze3A_159 = vector.extract %slice3A_158[0] : i32 from vector<1xi32>
      %mul3A_160 = arith.constant 16 : i32
      %mul3A_161 = arith.muli %add3A_77, %mul3A_160 : i32
      %add3A_162 = arith.constant 4 : i32
      %add3A_163 = arith.addi %mul3A_161, %add3A_162 : i32
      %dma_start3A_164 = arith.constant 0 : i32
      %dma_start3A_165 = arith.constant 0 : i32
      %dma_start3A_166 = tpu.memref_slice %arg6[%dma_start3A_164, %add3A_163, %dma_start3A_165] : memref<2x128x64xf32, #tpu.memory_space<vmem>> -> memref<1x1x64xf32, #tpu.memory_space<vmem>>
      %dma_start3A_167 = tpu.memref_squeeze %dma_start3A_166 : memref<1x1x64xf32, #tpu.memory_space<vmem>> -> memref<64xf32, #tpu.memory_space<vmem>>
      %dma_start3A_168 = arith.constant 0 : i32
      %dma_start3A_169 = tpu.memref_slice %arg2[%squeeze3A_159, %dma_start3A_168] : memref<1000000x64xf32, #tpu.memory_space<hbm>> -> memref<1x64xf32, #tpu.memory_space<hbm>>
      %dma_start3A_170 = tpu.memref_squeeze %dma_start3A_169 : memref<1x64xf32, #tpu.memory_space<hbm>> -> memref<64xf32, #tpu.memory_space<hbm>>
      %dma_start3A_171 = arith.constant 0 : i32
      %dma_start3A_172 = tpu.memref_slice %arg6[%dma_start3A_164, %add3A_163, %dma_start3A_171] : memref<2x128x64xf32, #tpu.memory_space<vmem>> -> memref<1x1x64xf32, #tpu.memory_space<vmem>>
      %dma_start3A_173 = tpu.memref_squeeze %dma_start3A_172 : memref<1x1x64xf32, #tpu.memory_space<vmem>> -> memref<64xf32, #tpu.memory_space<vmem>>
      %dma_start3A_174 = arith.constant 0 : i32
      %dma_start3A_175 = tpu.memref_slice %arg2[%squeeze3A_159, %dma_start3A_174] : memref<1000000x64xf32, #tpu.memory_space<hbm>> -> memref<1x64xf32, #tpu.memory_space<hbm>>
      %dma_start3A_176 = tpu.memref_squeeze %dma_start3A_175 : memref<1x64xf32, #tpu.memory_space<hbm>> -> memref<64xf32, #tpu.memory_space<hbm>>
      tpu.enqueue_dma source(%dma_start3A_176 : memref<64xf32, #tpu.memory_space<hbm>>) target(%dma_start3A_173 : memref<64xf32, #tpu.memory_space<vmem>>) target_semaphore(%arg9 : memref<!tpu.dma_semaphore, #tpu.memory_space<semaphore_mem>>)
      %slice3A_177 = vector.extract_strided_slice %get3A_83 {offsets = [5], sizes = [1], strides = [1]} : vector<16xi32> to vector<1xi32>
      %squeeze3A_178 = vector.extract %slice3A_177[0] : i32 from vector<1xi32>
      %mul3A_179 = arith.constant 16 : i32
      %mul3A_180 = arith.muli %add3A_77, %mul3A_179 : i32
      %add3A_181 = arith.constant 5 : i32
      %add3A_182 = arith.addi %mul3A_180, %add3A_181 : i32
      %dma_start3A_183 = arith.constant 0 : i32
      %dma_start3A_184 = arith.constant 0 : i32
      %dma_start3A_185 = tpu.memref_slice %arg6[%dma_start3A_183, %add3A_182, %dma_start3A_184] : memref<2x128x64xf32, #tpu.memory_space<vmem>> -> memref<1x1x64xf32, #tpu.memory_space<vmem>>
      %dma_start3A_186 = tpu.memref_squeeze %dma_start3A_185 : memref<1x1x64xf32, #tpu.memory_space<vmem>> -> memref<64xf32, #tpu.memory_space<vmem>>
      %dma_start3A_187 = arith.constant 0 : i32
      %dma_start3A_188 = tpu.memref_slice %arg2[%squeeze3A_178, %dma_start3A_187] : memref<1000000x64xf32, #tpu.memory_space<hbm>> -> memref<1x64xf32, #tpu.memory_space<hbm>>
      %dma_start3A_189 = tpu.memref_squeeze %dma_start3A_188 : memref<1x64xf32, #tpu.memory_space<hbm>> -> memref<64xf32, #tpu.memory_space<hbm>>
      %dma_start3A_190 = arith.constant 0 : i32
      %dma_start3A_191 = tpu.memref_slice %arg6[%dma_start3A_183, %add3A_182, %dma_start3A_190] : memref<2x128x64xf32, #tpu.memory_space<vmem>> -> memref<1x1x64xf32, #tpu.memory_space<vmem>>
      %dma_start3A_192 = tpu.memref_squeeze %dma_start3A_191 : memref<1x1x64xf32, #tpu.memory_space<vmem>> -> memref<64xf32, #tpu.memory_space<vmem>>
      %dma_start3A_193 = arith.constant 0 : i32
      %dma_start3A_194 = tpu.memref_slice %arg2[%squeeze3A_178, %dma_start3A_193] : memref<1000000x64xf32, #tpu.memory_space<hbm>> -> memref<1x64xf32, #tpu.memory_space<hbm>>
      %dma_start3A_195 = tpu.memref_squeeze %dma_start3A_194 : memref<1x64xf32, #tpu.memory_space<hbm>> -> memref<64xf32, #tpu.memory_space<hbm>>
      tpu.enqueue_dma source(%dma_start3A_195 : memref<64xf32, #tpu.memory_space<hbm>>) target(%dma_start3A_192 : memref<64xf32, #tpu.memory_space<vmem>>) target_semaphore(%arg9 : memref<!tpu.dma_semaphore, #tpu.memory_space<semaphore_mem>>)
      %slice3A_196 = vector.extract_strided_slice %get3A_83 {offsets = [6], sizes = [1], strides = [1]} : vector<16xi32> to vector<1xi32>
      %squeeze3A_197 = vector.extract %slice3A_196[0] : i32 from vector<1xi32>
      %mul3A_198 = arith.constant 16 : i32
      %mul3A_199 = arith.muli %add3A_77, %mul3A_198 : i32
      %add3A_200 = arith.constant 6 : i32
      %add3A_201 = arith.addi %mul3A_199, %add3A_200 : i32
      %dma_start3A_202 = arith.constant 0 : i32
      %dma_start3A_203 = arith.constant 0 : i32
      %dma_start3A_204 = tpu.memref_slice %arg6[%dma_start3A_202, %add3A_201, %dma_start3A_203] : memref<2x128x64xf32, #tpu.memory_space<vmem>> -> memref<1x1x64xf32, #tpu.memory_space<vmem>>
      %dma_start3A_205 = tpu.memref_squeeze %dma_start3A_204 : memref<1x1x64xf32, #tpu.memory_space<vmem>> -> memref<64xf32, #tpu.memory_space<vmem>>
      %dma_start3A_206 = arith.constant 0 : i32
      %dma_start3A_207 = tpu.memref_slice %arg2[%squeeze3A_197, %dma_start3A_206] : memref<1000000x64xf32, #tpu.memory_space<hbm>> -> memref<1x64xf32, #tpu.memory_space<hbm>>
      %dma_start3A_208 = tpu.memref_squeeze %dma_start3A_207 : memref<1x64xf32, #tpu.memory_space<hbm>> -> memref<64xf32, #tpu.memory_space<hbm>>
      %dma_start3A_209 = arith.constant 0 : i32
      %dma_start3A_210 = tpu.memref_slice %arg6[%dma_start3A_202, %add3A_201, %dma_start3A_209] : memref<2x128x64xf32, #tpu.memory_space<vmem>> -> memref<1x1x64xf32, #tpu.memory_space<vmem>>
      %dma_start3A_211 = tpu.memref_squeeze %dma_start3A_210 : memref<1x1x64xf32, #tpu.memory_space<vmem>> -> memref<64xf32, #tpu.memory_space<vmem>>
      %dma_start3A_212 = arith.constant 0 : i32
      %dma_start3A_213 = tpu.memref_slice %arg2[%squeeze3A_197, %dma_start3A_212] : memref<1000000x64xf32, #tpu.memory_space<hbm>> -> memref<1x64xf32, #tpu.memory_space<hbm>>
      %dma_start3A_214 = tpu.memref_squeeze %dma_start3A_213 : memref<1x64xf32, #tpu.memory_space<hbm>> -> memref<64xf32, #tpu.memory_space<hbm>>
      tpu.enqueue_dma source(%dma_start3A_214 : memref<64xf32, #tpu.memory_space<hbm>>) target(%dma_start3A_211 : memref<64xf32, #tpu.memory_space<vmem>>) target_semaphore(%arg9 : memref<!tpu.dma_semaphore, #tpu.memory_space<semaphore_mem>>)
      %slice3A_215 = vector.extract_strided_slice %get3A_83 {offsets = [7], sizes = [1], strides = [1]} : vector<16xi32> to vector<1xi32>
      %squeeze3A_216 = vector.extract %slice3A_215[0] : i32 from vector<1xi32>
      %mul3A_217 = arith.constant 16 : i32
      %mul3A_218 = arith.muli %add3A_77, %mul3A_217 : i32
      %add3A_219 = arith.constant 7 : i32
      %add3A_220 = arith.addi %mul3A_218, %add3A_219 : i32
      %dma_start3A_221 = arith.constant 0 : i32
      %dma_start3A_222 = arith.constant 0 : i32
      %dma_start3A_223 = tpu.memref_slice %arg6[%dma_start3A_221, %add3A_220, %dma_start3A_222] : memref<2x128x64xf32, #tpu.memory_space<vmem>> -> memref<1x1x64xf32, #tpu.memory_space<vmem>>
      %dma_start3A_224 = tpu.memref_squeeze %dma_start3A_223 : memref<1x1x64xf32, #tpu.memory_space<vmem>> -> memref<64xf32, #tpu.memory_space<vmem>>
      %dma_start3A_225 = arith.constant 0 : i32
      %dma_start3A_226 = tpu.memref_slice %arg2[%squeeze3A_216, %dma_start3A_225] : memref<1000000x64xf32, #tpu.memory_space<hbm>> -> memref<1x64xf32, #tpu.memory_space<hbm>>
      %dma_start3A_227 = tpu.memref_squeeze %dma_start3A_226 : memref<1x64xf32, #tpu.memory_space<hbm>> -> memref<64xf32, #tpu.memory_space<hbm>>
      %dma_start3A_228 = arith.constant 0 : i32
      %dma_start3A_229 = tpu.memref_slice %arg6[%dma_start3A_221, %add3A_220, %dma_start3A_228] : memref<2x128x64xf32, #tpu.memory_space<vmem>> -> memref<1x1x64xf32, #tpu.memory_space<vmem>>
      %dma_start3A_230 = tpu.memref_squeeze %dma_start3A_229 : memref<1x1x64xf32, #tpu.memory_space<vmem>> -> memref<64xf32, #tpu.memory_space<vmem>>
      %dma_start3A_231 = arith.constant 0 : i32
      %dma_start3A_232 = tpu.memref_slice %arg2[%squeeze3A_216, %dma_start3A_231] : memref<1000000x64xf32, #tpu.memory_space<hbm>> -> memref<1x64xf32, #tpu.memory_space<hbm>>
      %dma_start3A_233 = tpu.memref_squeeze %dma_start3A_232 : memref<1x64xf32, #tpu.memory_space<hbm>> -> memref<64xf32, #tpu.memory_space<hbm>>
      tpu.enqueue_dma source(%dma_start3A_233 : memref<64xf32, #tpu.memory_space<hbm>>) target(%dma_start3A_230 : memref<64xf32, #tpu.memory_space<vmem>>) target_semaphore(%arg9 : memref<!tpu.dma_semaphore, #tpu.memory_space<semaphore_mem>>)
      %slice3A_234 = vector.extract_strided_slice %get3A_83 {offsets = [8], sizes = [1], strides = [1]} : vector<16xi32> to vector<1xi32>
      %squeeze3A_235 = vector.extract %slice3A_234[0] : i32 from vector<1xi32>
      %mul3A_236 = arith.constant 16 : i32
      %mul3A_237 = arith.muli %add3A_77, %mul3A_236 : i32
      %add3A_238 = arith.constant 8 : i32
      %add3A_239 = arith.addi %mul3A_237, %add3A_238 : i32
      %dma_start3A_240 = arith.constant 0 : i32
      %dma_start3A_241 = arith.constant 0 : i32
      %dma_start3A_242 = tpu.memref_slice %arg6[%dma_start3A_240, %add3A_239, %dma_start3A_241] : memref<2x128x64xf32, #tpu.memory_space<vmem>> -> memref<1x1x64xf32, #tpu.memory_space<vmem>>
      %dma_start3A_243 = tpu.memref_squeeze %dma_start3A_242 : memref<1x1x64xf32, #tpu.memory_space<vmem>> -> memref<64xf32, #tpu.memory_space<vmem>>
      %dma_start3A_244 = arith.constant 0 : i32
      %dma_start3A_245 = tpu.memref_slice %arg2[%squeeze3A_235, %dma_start3A_244] : memref<1000000x64xf32, #tpu.memory_space<hbm>> -> memref<1x64xf32, #tpu.memory_space<hbm>>
      %dma_start3A_246 = tpu.memref_squeeze %dma_start3A_245 : memref<1x64xf32, #tpu.memory_space<hbm>> -> memref<64xf32, #tpu.memory_space<hbm>>
      %dma_start3A_247 = arith.constant 0 : i32
      %dma_start3A_248 = tpu.memref_slice %arg6[%dma_start3A_240, %add3A_239, %dma_start3A_247] : memref<2x128x64xf32, #tpu.memory_space<vmem>> -> memref<1x1x64xf32, #tpu.memory_space<vmem>>
      %dma_start3A_249 = tpu.memref_squeeze %dma_start3A_248 : memref<1x1x64xf32, #tpu.memory_space<vmem>> -> memref<64xf32, #tpu.memory_space<vmem>>
      %dma_start3A_250 = arith.constant 0 : i32
      %dma_start3A_251 = tpu.memref_slice %arg2[%squeeze3A_235, %dma_start3A_250] : memref<1000000x64xf32, #tpu.memory_space<hbm>> -> memref<1x64xf32, #tpu.memory_space<hbm>>
      %dma_start3A_252 = tpu.memref_squeeze %dma_start3A_251 : memref<1x64xf32, #tpu.memory_space<hbm>> -> memref<64xf32, #tpu.memory_space<hbm>>
      tpu.enqueue_dma source(%dma_start3A_252 : memref<64xf32, #tpu.memory_space<hbm>>) target(%dma_start3A_249 : memref<64xf32, #tpu.memory_space<vmem>>) target_semaphore(%arg9 : memref<!tpu.dma_semaphore, #tpu.memory_space<semaphore_mem>>)
      %slice3A_253 = vector.extract_strided_slice %get3A_83 {offsets = [9], sizes = [1], strides = [1]} : vector<16xi32> to vector<1xi32>
      %squeeze3A_254 = vector.extract %slice3A_253[0] : i32 from vector<1xi32>
      %mul3A_255 = arith.constant 16 : i32
      %mul3A_256 = arith.muli %add3A_77, %mul3A_255 : i32
      %add3A_257 = arith.constant 9 : i32
      %add3A_258 = arith.addi %mul3A_256, %add3A_257 : i32
      %dma_start3A_259 = arith.constant 0 : i32
      %dma_start3A_260 = arith.constant 0 : i32
      %dma_start3A_261 = tpu.memref_slice %arg6[%dma_start3A_259, %add3A_258, %dma_start3A_260] : memref<2x128x64xf32, #tpu.memory_space<vmem>> -> memref<1x1x64xf32, #tpu.memory_space<vmem>>
      %dma_start3A_262 = tpu.memref_squeeze %dma_start3A_261 : memref<1x1x64xf32, #tpu.memory_space<vmem>> -> memref<64xf32, #tpu.memory_space<vmem>>
      %dma_start3A_263 = arith.constant 0 : i32
      %dma_start3A_264 = tpu.memref_slice %arg2[%squeeze3A_254, %dma_start3A_263] : memref<1000000x64xf32, #tpu.memory_space<hbm>> -> memref<1x64xf32, #tpu.memory_space<hbm>>
      %dma_start3A_265 = tpu.memref_squeeze %dma_start3A_264 : memref<1x64xf32, #tpu.memory_space<hbm>> -> memref<64xf32, #tpu.memory_space<hbm>>
      %dma_start3A_266 = arith.constant 0 : i32
      %dma_start3A_267 = tpu.memref_slice %arg6[%dma_start3A_259, %add3A_258, %dma_start3A_266] : memref<2x128x64xf32, #tpu.memory_space<vmem>> -> memref<1x1x64xf32, #tpu.memory_space<vmem>>
      %dma_start3A_268 = tpu.memref_squeeze %dma_start3A_267 : memref<1x1x64xf32, #tpu.memory_space<vmem>> -> memref<64xf32, #tpu.memory_space<vmem>>
      %dma_start3A_269 = arith.constant 0 : i32
      %dma_start3A_270 = tpu.memref_slice %arg2[%squeeze3A_254, %dma_start3A_269] : memref<1000000x64xf32, #tpu.memory_space<hbm>> -> memref<1x64xf32, #tpu.memory_space<hbm>>
      %dma_start3A_271 = tpu.memref_squeeze %dma_start3A_270 : memref<1x64xf32, #tpu.memory_space<hbm>> -> memref<64xf32, #tpu.memory_space<hbm>>
      tpu.enqueue_dma source(%dma_start3A_271 : memref<64xf32, #tpu.memory_space<hbm>>) target(%dma_start3A_268 : memref<64xf32, #tpu.memory_space<vmem>>) target_semaphore(%arg9 : memref<!tpu.dma_semaphore, #tpu.memory_space<semaphore_mem>>)
      %slice3A_272 = vector.extract_strided_slice %get3A_83 {offsets = [10], sizes = [1], strides = [1]} : vector<16xi32> to vector<1xi32>
      %squeeze3A_273 = vector.extract %slice3A_272[0] : i32 from vector<1xi32>
      %mul3A_274 = arith.constant 16 : i32
      %mul3A_275 = arith.muli %add3A_77, %mul3A_274 : i32
      %add3A_276 = arith.constant 10 : i32
      %add3A_277 = arith.addi %mul3A_275, %add3A_276 : i32
      %dma_start3A_278 = arith.constant 0 : i32
      %dma_start3A_279 = arith.constant 0 : i32
      %dma_start3A_280 = tpu.memref_slice %arg6[%dma_start3A_278, %add3A_277, %dma_start3A_279] : memref<2x128x64xf32, #tpu.memory_space<vmem>> -> memref<1x1x64xf32, #tpu.memory_space<vmem>>
      %dma_start3A_281 = tpu.memref_squeeze %dma_start3A_280 : memref<1x1x64xf32, #tpu.memory_space<vmem>> -> memref<64xf32, #tpu.memory_space<vmem>>
      %dma_start3A_282 = arith.constant 0 : i32
      %dma_start3A_283 = tpu.memref_slice %arg2[%squeeze3A_273, %dma_start3A_282] : memref<1000000x64xf32, #tpu.memory_space<hbm>> -> memref<1x64xf32, #tpu.memory_space<hbm>>
      %dma_start3A_284 = tpu.memref_squeeze %dma_start3A_283 : memref<1x64xf32, #tpu.memory_space<hbm>> -> memref<64xf32, #tpu.memory_space<hbm>>
      %dma_start3A_285 = arith.constant 0 : i32
      %dma_start3A_286 = tpu.memref_slice %arg6[%dma_start3A_278, %add3A_277, %dma_start3A_285] : memref<2x128x64xf32, #tpu.memory_space<vmem>> -> memref<1x1x64xf32, #tpu.memory_space<vmem>>
      %dma_start3A_287 = tpu.memref_squeeze %dma_start3A_286 : memref<1x1x64xf32, #tpu.memory_space<vmem>> -> memref<64xf32, #tpu.memory_space<vmem>>
      %dma_start3A_288 = arith.constant 0 : i32
      %dma_start3A_289 = tpu.memref_slice %arg2[%squeeze3A_273, %dma_start3A_288] : memref<1000000x64xf32, #tpu.memory_space<hbm>> -> memref<1x64xf32, #tpu.memory_space<hbm>>
      %dma_start3A_290 = tpu.memref_squeeze %dma_start3A_289 : memref<1x64xf32, #tpu.memory_space<hbm>> -> memref<64xf32, #tpu.memory_space<hbm>>
      tpu.enqueue_dma source(%dma_start3A_290 : memref<64xf32, #tpu.memory_space<hbm>>) target(%dma_start3A_287 : memref<64xf32, #tpu.memory_space<vmem>>) target_semaphore(%arg9 : memref<!tpu.dma_semaphore, #tpu.memory_space<semaphore_mem>>)
      %slice3A_291 = vector.extract_strided_slice %get3A_83 {offsets = [11], sizes = [1], strides = [1]} : vector<16xi32> to vector<1xi32>
      %squeeze3A_292 = vector.extract %slice3A_291[0] : i32 from vector<1xi32>
      %mul3A_293 = arith.constant 16 : i32
      %mul3A_294 = arith.muli %add3A_77, %mul3A_293 : i32
      %add3A_295 = arith.constant 11 : i32
      %add3A_296 = arith.addi %mul3A_294, %add3A_295 : i32
      %dma_start3A_297 = arith.constant 0 : i32
      %dma_start3A_298 = arith.constant 0 : i32
      %dma_start3A_299 = tpu.memref_slice %arg6[%dma_start3A_297, %add3A_296, %dma_start3A_298] : memref<2x128x64xf32, #tpu.memory_space<vmem>> -> memref<1x1x64xf32, #tpu.memory_space<vmem>>
      %dma_start3A_300 = tpu.memref_squeeze %dma_start3A_299 : memref<1x1x64xf32, #tpu.memory_space<vmem>> -> memref<64xf32, #tpu.memory_space<vmem>>
      %dma_start3A_301 = arith.constant 0 : i32
      %dma_start3A_302 = tpu.memref_slice %arg2[%squeeze3A_292, %dma_start3A_301] : memref<1000000x64xf32, #tpu.memory_space<hbm>> -> memref<1x64xf32, #tpu.memory_space<hbm>>
      %dma_start3A_303 = tpu.memref_squeeze %dma_start3A_302 : memref<1x64xf32, #tpu.memory_space<hbm>> -> memref<64xf32, #tpu.memory_space<hbm>>
      %dma_start3A_304 = arith.constant 0 : i32
      %dma_start3A_305 = tpu.memref_slice %arg6[%dma_start3A_297, %add3A_296, %dma_start3A_304] : memref<2x128x64xf32, #tpu.memory_space<vmem>> -> memref<1x1x64xf32, #tpu.memory_space<vmem>>
      %dma_start3A_306 = tpu.memref_squeeze %dma_start3A_305 : memref<1x1x64xf32, #tpu.memory_space<vmem>> -> memref<64xf32, #tpu.memory_space<vmem>>
      %dma_start3A_307 = arith.constant 0 : i32
      %dma_start3A_308 = tpu.memref_slice %arg2[%squeeze3A_292, %dma_start3A_307] : memref<1000000x64xf32, #tpu.memory_space<hbm>> -> memref<1x64xf32, #tpu.memory_space<hbm>>
      %dma_start3A_309 = tpu.memref_squeeze %dma_start3A_308 : memref<1x64xf32, #tpu.memory_space<hbm>> -> memref<64xf32, #tpu.memory_space<hbm>>
      tpu.enqueue_dma source(%dma_start3A_309 : memref<64xf32, #tpu.memory_space<hbm>>) target(%dma_start3A_306 : memref<64xf32, #tpu.memory_space<vmem>>) target_semaphore(%arg9 : memref<!tpu.dma_semaphore, #tpu.memory_space<semaphore_mem>>)
      %slice3A_310 = vector.extract_strided_slice %get3A_83 {offsets = [12], sizes = [1], strides = [1]} : vector<16xi32> to vector<1xi32>
      %squeeze3A_311 = vector.extract %slice3A_310[0] : i32 from vector<1xi32>
      %mul3A_312 = arith.constant 16 : i32
      %mul3A_313 = arith.muli %add3A_77, %mul3A_312 : i32
      %add3A_314 = arith.constant 12 : i32
      %add3A_315 = arith.addi %mul3A_313, %add3A_314 : i32
      %dma_start3A_316 = arith.constant 0 : i32
      %dma_start3A_317 = arith.constant 0 : i32
      %dma_start3A_318 = tpu.memref_slice %arg6[%dma_start3A_316, %add3A_315, %dma_start3A_317] : memref<2x128x64xf32, #tpu.memory_space<vmem>> -> memref<1x1x64xf32, #tpu.memory_space<vmem>>
      %dma_start3A_319 = tpu.memref_squeeze %dma_start3A_318 : memref<1x1x64xf32, #tpu.memory_space<vmem>> -> memref<64xf32, #tpu.memory_space<vmem>>
      %dma_start3A_320 = arith.constant 0 : i32
      %dma_start3A_321 = tpu.memref_slice %arg2[%squeeze3A_311, %dma_start3A_320] : memref<1000000x64xf32, #tpu.memory_space<hbm>> -> memref<1x64xf32, #tpu.memory_space<hbm>>
      %dma_start3A_322 = tpu.memref_squeeze %dma_start3A_321 : memref<1x64xf32, #tpu.memory_space<hbm>> -> memref<64xf32, #tpu.memory_space<hbm>>
      %dma_start3A_323 = arith.constant 0 : i32
      %dma_start3A_324 = tpu.memref_slice %arg6[%dma_start3A_316, %add3A_315, %dma_start3A_323] : memref<2x128x64xf32, #tpu.memory_space<vmem>> -> memref<1x1x64xf32, #tpu.memory_space<vmem>>
      %dma_start3A_325 = tpu.memref_squeeze %dma_start3A_324 : memref<1x1x64xf32, #tpu.memory_space<vmem>> -> memref<64xf32, #tpu.memory_space<vmem>>
      %dma_start3A_326 = arith.constant 0 : i32
      %dma_start3A_327 = tpu.memref_slice %arg2[%squeeze3A_311, %dma_start3A_326] : memref<1000000x64xf32, #tpu.memory_space<hbm>> -> memref<1x64xf32, #tpu.memory_space<hbm>>
      %dma_start3A_328 = tpu.memref_squeeze %dma_start3A_327 : memref<1x64xf32, #tpu.memory_space<hbm>> -> memref<64xf32, #tpu.memory_space<hbm>>
      tpu.enqueue_dma source(%dma_start3A_328 : memref<64xf32, #tpu.memory_space<hbm>>) target(%dma_start3A_325 : memref<64xf32, #tpu.memory_space<vmem>>) target_semaphore(%arg9 : memref<!tpu.dma_semaphore, #tpu.memory_space<semaphore_mem>>)
      %slice3A_329 = vector.extract_strided_slice %get3A_83 {offsets = [13], sizes = [1], strides = [1]} : vector<16xi32> to vector<1xi32>
      %squeeze3A_330 = vector.extract %slice3A_329[0] : i32 from vector<1xi32>
      %mul3A_331 = arith.constant 16 : i32
      %mul3A_332 = arith.muli %add3A_77, %mul3A_331 : i32
      %add3A_333 = arith.constant 13 : i32
      %add3A_334 = arith.addi %mul3A_332, %add3A_333 : i32
      %dma_start3A_335 = arith.constant 0 : i32
      %dma_start3A_336 = arith.constant 0 : i32
      %dma_start3A_337 = tpu.memref_slice %arg6[%dma_start3A_335, %add3A_334, %dma_start3A_336] : memref<2x128x64xf32, #tpu.memory_space<vmem>> -> memref<1x1x64xf32, #tpu.memory_space<vmem>>
      %dma_start3A_338 = tpu.memref_squeeze %dma_start3A_337 : memref<1x1x64xf32, #tpu.memory_space<vmem>> -> memref<64xf32, #tpu.memory_space<vmem>>
      %dma_start3A_339 = arith.constant 0 : i32
      %dma_start3A_340 = tpu.memref_slice %arg2[%squeeze3A_330, %dma_start3A_339] : memref<1000000x64xf32, #tpu.memory_space<hbm>> -> memref<1x64xf32, #tpu.memory_space<hbm>>
      %dma_start3A_341 = tpu.memref_squeeze %dma_start3A_340 : memref<1x64xf32, #tpu.memory_space<hbm>> -> memref<64xf32, #tpu.memory_space<hbm>>
      %dma_start3A_342 = arith.constant 0 : i32
      %dma_start3A_343 = tpu.memref_slice %arg6[%dma_start3A_335, %add3A_334, %dma_start3A_342] : memref<2x128x64xf32, #tpu.memory_space<vmem>> -> memref<1x1x64xf32, #tpu.memory_space<vmem>>
      %dma_start3A_344 = tpu.memref_squeeze %dma_start3A_343 : memref<1x1x64xf32, #tpu.memory_space<vmem>> -> memref<64xf32, #tpu.memory_space<vmem>>
      %dma_start3A_345 = arith.constant 0 : i32
      %dma_start3A_346 = tpu.memref_slice %arg2[%squeeze3A_330, %dma_start3A_345] : memref<1000000x64xf32, #tpu.memory_space<hbm>> -> memref<1x64xf32, #tpu.memory_space<hbm>>
      %dma_start3A_347 = tpu.memref_squeeze %dma_start3A_346 : memref<1x64xf32, #tpu.memory_space<hbm>> -> memref<64xf32, #tpu.memory_space<hbm>>
      tpu.enqueue_dma source(%dma_start3A_347 : memref<64xf32, #tpu.memory_space<hbm>>) target(%dma_start3A_344 : memref<64xf32, #tpu.memory_space<vmem>>) target_semaphore(%arg9 : memref<!tpu.dma_semaphore, #tpu.memory_space<semaphore_mem>>)
      %slice3A_348 = vector.extract_strided_slice %get3A_83 {offsets = [14], sizes = [1], strides = [1]} : vector<16xi32> to vector<1xi32>
      %squeeze3A_349 = vector.extract %slice3A_348[0] : i32 from vector<1xi32>
      %mul3A_350 = arith.constant 16 : i32
      %mul3A_351 = arith.muli %add3A_77, %mul3A_350 : i32
      %add3A_352 = arith.constant 14 : i32
      %add3A_353 = arith.addi %mul3A_351, %add3A_352 : i32
      %dma_start3A_354 = arith.constant 0 : i32
      %dma_start3A_355 = arith.constant 0 : i32
      %dma_start3A_356 = tpu.memref_slice %arg6[%dma_start3A_354, %add3A_353, %dma_start3A_355] : memref<2x128x64xf32, #tpu.memory_space<vmem>> -> memref<1x1x64xf32, #tpu.memory_space<vmem>>
      %dma_start3A_357 = tpu.memref_squeeze %dma_start3A_356 : memref<1x1x64xf32, #tpu.memory_space<vmem>> -> memref<64xf32, #tpu.memory_space<vmem>>
      %dma_start3A_358 = arith.constant 0 : i32
      %dma_start3A_359 = tpu.memref_slice %arg2[%squeeze3A_349, %dma_start3A_358] : memref<1000000x64xf32, #tpu.memory_space<hbm>> -> memref<1x64xf32, #tpu.memory_space<hbm>>
      %dma_start3A_360 = tpu.memref_squeeze %dma_start3A_359 : memref<1x64xf32, #tpu.memory_space<hbm>> -> memref<64xf32, #tpu.memory_space<hbm>>
      %dma_start3A_361 = arith.constant 0 : i32
      %dma_start3A_362 = tpu.memref_slice %arg6[%dma_start3A_354, %add3A_353, %dma_start3A_361] : memref<2x128x64xf32, #tpu.memory_space<vmem>> -> memref<1x1x64xf32, #tpu.memory_space<vmem>>
      %dma_start3A_363 = tpu.memref_squeeze %dma_start3A_362 : memref<1x1x64xf32, #tpu.memory_space<vmem>> -> memref<64xf32, #tpu.memory_space<vmem>>
      %dma_start3A_364 = arith.constant 0 : i32
      %dma_start3A_365 = tpu.memref_slice %arg2[%squeeze3A_349, %dma_start3A_364] : memref<1000000x64xf32, #tpu.memory_space<hbm>> -> memref<1x64xf32, #tpu.memory_space<hbm>>
      %dma_start3A_366 = tpu.memref_squeeze %dma_start3A_365 : memref<1x64xf32, #tpu.memory_space<hbm>> -> memref<64xf32, #tpu.memory_space<hbm>>
      tpu.enqueue_dma source(%dma_start3A_366 : memref<64xf32, #tpu.memory_space<hbm>>) target(%dma_start3A_363 : memref<64xf32, #tpu.memory_space<vmem>>) target_semaphore(%arg9 : memref<!tpu.dma_semaphore, #tpu.memory_space<semaphore_mem>>)
      %slice3A_367 = vector.extract_strided_slice %get3A_83 {offsets = [15], sizes = [1], strides = [1]} : vector<16xi32> to vector<1xi32>
      %squeeze3A_368 = vector.extract %slice3A_367[0] : i32 from vector<1xi32>
      %mul3A_369 = arith.constant 16 : i32
      %mul3A_370 = arith.muli %add3A_77, %mul3A_369 : i32
      %add3A_371 = arith.constant 15 : i32
      %add3A_372 = arith.addi %mul3A_370, %add3A_371 : i32
      %dma_start3A_373 = arith.constant 0 : i32
      %dma_start3A_374 = arith.constant 0 : i32
      %dma_start3A_375 = tpu.memref_slice %arg6[%dma_start3A_373, %add3A_372, %dma_start3A_374] : memref<2x128x64xf32, #tpu.memory_space<vmem>> -> memref<1x1x64xf32, #tpu.memory_space<vmem>>
      %dma_start3A_376 = tpu.memref_squeeze %dma_start3A_375 : memref<1x1x64xf32, #tpu.memory_space<vmem>> -> memref<64xf32, #tpu.memory_space<vmem>>
      %dma_start3A_377 = arith.constant 0 : i32
      %dma_start3A_378 = tpu.memref_slice %arg2[%squeeze3A_368, %dma_start3A_377] : memref<1000000x64xf32, #tpu.memory_space<hbm>> -> memref<1x64xf32, #tpu.memory_space<hbm>>
      %dma_start3A_379 = tpu.memref_squeeze %dma_start3A_378 : memref<1x64xf32, #tpu.memory_space<hbm>> -> memref<64xf32, #tpu.memory_space<hbm>>
      %dma_start3A_380 = arith.constant 0 : i32
      %dma_start3A_381 = tpu.memref_slice %arg6[%dma_start3A_373, %add3A_372, %dma_start3A_380] : memref<2x128x64xf32, #tpu.memory_space<vmem>> -> memref<1x1x64xf32, #tpu.memory_space<vmem>>
      %dma_start3A_382 = tpu.memref_squeeze %dma_start3A_381 : memref<1x1x64xf32, #tpu.memory_space<vmem>> -> memref<64xf32, #tpu.memory_space<vmem>>
      %dma_start3A_383 = arith.constant 0 : i32
      %dma_start3A_384 = tpu.memref_slice %arg2[%squeeze3A_368, %dma_start3A_383] : memref<1000000x64xf32, #tpu.memory_space<hbm>> -> memref<1x64xf32, #tpu.memory_space<hbm>>
      %dma_start3A_385 = tpu.memref_squeeze %dma_start3A_384 : memref<1x64xf32, #tpu.memory_space<hbm>> -> memref<64xf32, #tpu.memory_space<hbm>>
      tpu.enqueue_dma source(%dma_start3A_385 : memref<64xf32, #tpu.memory_space<hbm>>) target(%dma_start3A_382 : memref<64xf32, #tpu.memory_space<vmem>>) target_semaphore(%arg9 : memref<!tpu.dma_semaphore, #tpu.memory_space<semaphore_mem>>)
    }
    %scan3A_26 = arith.constant 8 : i32
    %add3A_27 = arith.constant 128 : i32
    %add3A_28 = arith.addi %mul3A_2, %add3A_27 : i32
    %dma_start3A_29 = arith.constant 1 : i32
    %dma_start3A_30 = arith.constant 0 : i32
    %dma_start3A_31 = tpu.memref_slice %arg5[%dma_start3A_29, %dma_start3A_30] : memref<2x128xi32, #tpu.memory_space<vmem>> -> memref<1x128xi32, #tpu.memory_space<vmem>>
    %dma_start3A_32 = tpu.memref_squeeze %dma_start3A_31 : memref<1x128xi32, #tpu.memory_space<vmem>> -> memref<128xi32, #tpu.memory_space<vmem>>
    %dma_start3A_33 = tpu.memref_slice %arg3[%add3A_28] : memref<327680xi32, #tpu.memory_space<hbm>> -> memref<128xi32, #tpu.memory_space<hbm>>
    %dma_start3A_34 = arith.constant 0 : i32
    %dma_start3A_35 = tpu.memref_slice %arg5[%dma_start3A_29, %dma_start3A_34] : memref<2x128xi32, #tpu.memory_space<vmem>> -> memref<1x128xi32, #tpu.memory_space<vmem>>
    %dma_start3A_36 = tpu.memref_squeeze %dma_start3A_35 : memref<1x128xi32, #tpu.memory_space<vmem>> -> memref<128xi32, #tpu.memory_space<vmem>>
    %dma_start3A_37 = tpu.memref_slice %arg3[%add3A_28] : memref<327680xi32, #tpu.memory_space<hbm>> -> memref<128xi32, #tpu.memory_space<hbm>>
    tpu.enqueue_dma source(%dma_start3A_37 : memref<128xi32, #tpu.memory_space<hbm>>) target(%dma_start3A_36 : memref<128xi32, #tpu.memory_space<vmem>>) target_semaphore(%arg8 : memref<!tpu.dma_semaphore, #tpu.memory_space<semaphore_mem>>)
    %scan3A_38 = arith.constant 0 : i32
    %scan3A_39 = arith.constant 40 : i32
    %scan3A_40 = arith.addi %scan3A_38, %scan3A_39 : i32
    %scan3A_41 = arith.constant 1 : i32
    scf.for %scan3A_73 = %scan3A_38 to %scan3A_40 step %scan3A_41  : i32 {
      %mul3A_74 = arith.constant 2 : i32
      %mul3A_75 = arith.muli %scan3A_73, %mul3A_74 : i32
      %add3A_76 = arith.constant 0 : i32
      %add3A_77 = arith.addi %add3A_76, %mul3A_75 : i32
      %add3A_78 = arith.constant 0 : i32
      %add3A_79 = arith.addi %add3A_77, %add3A_78 : i32
      %add3A_80 = arith.constant 1 : i32
      %add3A_81 = arith.addi %add3A_79, %add3A_80 : i32
      %lt3A = arith.constant 80 : i32
      %lt3A_82 = arith.cmpi slt, %add3A_81, %lt3A : i32
      %convert_element_type3A = arith.extui %lt3A_82 : i1 to i32
      %cond3A = arith.constant 0 : i32
      %cond3A_83 = arith.cmpi ne, %convert_element_type3A, %cond3A : i32
      scf.if %cond3A_83 {
        %dma_wait3A_169 = arith.constant 1 : i32
        %dma_wait3A_170 = arith.constant 0 : i32
        %dma_wait3A_171 = tpu.memref_slice %arg5[%dma_wait3A_169, %dma_wait3A_170] : memref<2x128xi32, #tpu.memory_space<vmem>> -> memref<1x128xi32, #tpu.memory_space<vmem>>
        %dma_wait3A_172 = tpu.memref_squeeze %dma_wait3A_171 : memref<1x128xi32, #tpu.memory_space<vmem>> -> memref<128xi32, #tpu.memory_space<vmem>>
        %dma_wait3A_173 = arith.constant 0 : i32
        %dma_wait3A_174 = tpu.memref_slice %arg3[%dma_wait3A_173] : memref<327680xi32, #tpu.memory_space<hbm>> -> memref<128xi32, #tpu.memory_space<hbm>>
        %dma_wait3A_175 = arith.constant 0 : i32
        %dma_wait3A_176 = tpu.memref_slice %arg5[%dma_wait3A_169, %dma_wait3A_175] : memref<2x128xi32, #tpu.memory_space<vmem>> -> memref<1x128xi32, #tpu.memory_space<vmem>>
        %dma_wait3A_177 = tpu.memref_squeeze %dma_wait3A_176 : memref<1x128xi32, #tpu.memory_space<vmem>> -> memref<128xi32, #tpu.memory_space<vmem>>
        %dma_wait3A_178 = arith.constant 0 : i32
        %dma_wait3A_179 = tpu.memref_slice %arg3[%dma_wait3A_178] : memref<327680xi32, #tpu.memory_space<hbm>> -> memref<128xi32, #tpu.memory_space<hbm>>
        tpu.wait_dma2 semaphore(%arg8 : memref<!tpu.dma_semaphore, #tpu.memory_space<semaphore_mem>>) src(%dma_wait3A_179 : memref<128xi32, #tpu.memory_space<hbm>>) dst(%dma_wait3A_177 : memref<128xi32, #tpu.memory_space<vmem>>)
        %add3A_180 = arith.constant 1 : i32
        %add3A_181 = arith.addi %add3A_79, %add3A_180 : i32
        %ge3A = arith.constant 2 : i32
        %ge3A_182 = arith.cmpi sge, %add3A_181, %ge3A : i32
        %convert_element_type3A_183 = arith.extui %ge3A_182 : i1 to i32
        %cond3A_184 = arith.constant 0 : i32
        %cond3A_185 = arith.cmpi ne, %convert_element_type3A_183, %cond3A_184 : i32
        scf.if %cond3A_185 {
          %dma_wait3A_191 = arith.constant 1 : i32
          %dma_wait3A_192 = arith.constant 0 : i32
          %dma_wait3A_193 = arith.constant 0 : i32
          %dma_wait3A_194 = tpu.memref_slice %arg6[%dma_wait3A_191, %dma_wait3A_192, %dma_wait3A_193] : memref<2x128x64xf32, #tpu.memory_space<vmem>> -> memref<1x128x64xf32, #tpu.memory_space<vmem>>
          %dma_wait3A_195 = tpu.memref_squeeze %dma_wait3A_194 : memref<1x128x64xf32, #tpu.memory_space<vmem>> -> memref<128x64xf32, #tpu.memory_space<vmem>>
          %dma_wait3A_196 = arith.constant 0 : i32
          %dma_wait3A_197 = arith.constant 0 : i32
          %dma_wait3A_198 = tpu.memref_slice %arg4[%dma_wait3A_196, %dma_wait3A_197] : memref<327680x64xf32, #tpu.memory_space<hbm>> -> memref<128x64xf32, #tpu.memory_space<hbm>>
          %dma_wait3A_199 = arith.constant 0 : i32
          %dma_wait3A_200 = arith.constant 0 : i32
          %dma_wait3A_201 = tpu.memref_slice %arg4[%dma_wait3A_199, %dma_wait3A_200] : memref<327680x64xf32, #tpu.memory_space<hbm>> -> memref<128x64xf32, #tpu.memory_space<hbm>>
          %dma_wait3A_202 = arith.constant 0 : i32
          %dma_wait3A_203 = arith.constant 0 : i32
          %dma_wait3A_204 = tpu.memref_slice %arg6[%dma_wait3A_191, %dma_wait3A_202, %dma_wait3A_203] : memref<2x128x64xf32, #tpu.memory_space<vmem>> -> memref<1x128x64xf32, #tpu.memory_space<vmem>>
          %dma_wait3A_205 = tpu.memref_squeeze %dma_wait3A_204 : memref<1x128x64xf32, #tpu.memory_space<vmem>> -> memref<128x64xf32, #tpu.memory_space<vmem>>
          tpu.wait_dma2 semaphore(%arg12 : memref<!tpu.dma_semaphore, #tpu.memory_space<semaphore_mem>>) src(%dma_wait3A_205 : memref<128x64xf32, #tpu.memory_space<vmem>>) dst(%dma_wait3A_201 : memref<128x64xf32, #tpu.memory_space<hbm>>)
        } else {
        }
        %scan3A_186 = arith.constant 0 : i32
        %scan3A_187 = arith.constant 8 : i32
        %scan3A_188 = arith.addi %scan3A_186, %scan3A_187 : i32
        %scan3A_189 = arith.constant 1 : i32
        scf.for %scan3A_191 = %scan3A_186 to %scan3A_188 step %scan3A_189  : i32 {
          %mul3A_192 = arith.constant 1 : i32
          %mul3A_193 = arith.muli %scan3A_191, %mul3A_192 : i32
          %add3A_194 = arith.constant 0 : i32
          %add3A_195 = arith.addi %add3A_194, %mul3A_193 : i32
          %mul3A_196 = arith.constant 16 : i32
          %mul3A_197 = arith.muli %add3A_195, %mul3A_196 : i32
          %get3A = arith.constant 1 : i32
          %get3A_198 = arith.index_cast %get3A : i32 to index
          %get3A_199 = arith.index_cast %mul3A_197 : i32 to index
          %get3A_200 = tpu.vector_load %arg5[%get3A_198, %get3A_199] {strides = array<i32>} : memref<2x128xi32, #tpu.memory_space<vmem>>, vector<1x16xi32>,
          %get3A_201 = vector.shape_cast %get3A_200 : vector<1x16xi32> to vector<16xi32>
          %slice3A = vector.extract_strided_slice %get3A_201 {offsets = [0], sizes = [1], strides = [1]} : vector<16xi32> to vector<1xi32>
          %squeeze3A = vector.extract %slice3A[0] : i32 from vector<1xi32>
          %mul3A_202 = arith.constant 16 : i32
          %mul3A_203 = arith.muli %add3A_195, %mul3A_202 : i32
          %add3A_204 = arith.constant 0 : i32
          %add3A_205 = arith.addi %mul3A_203, %add3A_204 : i32
          %dma_start3A_206 = arith.constant 1 : i32
          %dma_start3A_207 = arith.constant 0 : i32
          %dma_start3A_208 = tpu.memref_slice %arg6[%dma_start3A_206, %add3A_205, %dma_start3A_207] : memref<2x128x64xf32, #tpu.memory_space<vmem>> -> memref<1x1x64xf32, #tpu.memory_space<vmem>>
          %dma_start3A_209 = tpu.memref_squeeze %dma_start3A_208 : memref<1x1x64xf32, #tpu.memory_space<vmem>> -> memref<64xf32, #tpu.memory_space<vmem>>
          %dma_start3A_210 = arith.constant 0 : i32
          %dma_start3A_211 = tpu.memref_slice %arg2[%squeeze3A, %dma_start3A_210] : memref<1000000x64xf32, #tpu.memory_space<hbm>> -> memref<1x64xf32, #tpu.memory_space<hbm>>
          %dma_start3A_212 = tpu.memref_squeeze %dma_start3A_211 : memref<1x64xf32, #tpu.memory_space<hbm>> -> memref<64xf32, #tpu.memory_space<hbm>>
          %dma_start3A_213 = arith.constant 0 : i32
          %dma_start3A_214 = tpu.memref_slice %arg6[%dma_start3A_206, %add3A_205, %dma_start3A_213] : memref<2x128x64xf32, #tpu.memory_space<vmem>> -> memref<1x1x64xf32, #tpu.memory_space<vmem>>
          %dma_start3A_215 = tpu.memref_squeeze %dma_start3A_214 : memref<1x1x64xf32, #tpu.memory_space<vmem>> -> memref<64xf32, #tpu.memory_space<vmem>>
          %dma_start3A_216 = arith.constant 0 : i32
          %dma_start3A_217 = tpu.memref_slice %arg2[%squeeze3A, %dma_start3A_216] : memref<1000000x64xf32, #tpu.memory_space<hbm>> -> memref<1x64xf32, #tpu.memory_space<hbm>>
          %dma_start3A_218 = tpu.memref_squeeze %dma_start3A_217 : memref<1x64xf32, #tpu.memory_space<hbm>> -> memref<64xf32, #tpu.memory_space<hbm>>
          tpu.enqueue_dma source(%dma_start3A_218 : memref<64xf32, #tpu.memory_space<hbm>>) target(%dma_start3A_215 : memref<64xf32, #tpu.memory_space<vmem>>) target_semaphore(%arg10 : memref<!tpu.dma_semaphore, #tpu.memory_space<semaphore_mem>>)
          %slice3A_219 = vector.extract_strided_slice %get3A_201 {offsets = [1], sizes = [1], strides = [1]} : vector<16xi32> to vector<1xi32>
          %squeeze3A_220 = vector.extract %slice3A_219[0] : i32 from vector<1xi32>
          %mul3A_221 = arith.constant 16 : i32
          %mul3A_222 = arith.muli %add3A_195, %mul3A_221 : i32
          %add3A_223 = arith.constant 1 : i32
          %add3A_224 = arith.addi %mul3A_222, %add3A_223 : i32
          %dma_start3A_225 = arith.constant 1 : i32
          %dma_start3A_226 = arith.constant 0 : i32
          %dma_start3A_227 = tpu.memref_slice %arg6[%dma_start3A_225, %add3A_224, %dma_start3A_226] : memref<2x128x64xf32, #tpu.memory_space<vmem>> -> memref<1x1x64xf32, #tpu.memory_space<vmem>>
          %dma_start3A_228 = tpu.memref_squeeze %dma_start3A_227 : memref<1x1x64xf32, #tpu.memory_space<vmem>> -> memref<64xf32, #tpu.memory_space<vmem>>
          %dma_start3A_229 = arith.constant 0 : i32
          %dma_start3A_230 = tpu.memref_slice %arg2[%squeeze3A_220, %dma_start3A_229] : memref<1000000x64xf32, #tpu.memory_space<hbm>> -> memref<1x64xf32, #tpu.memory_space<hbm>>
          %dma_start3A_231 = tpu.memref_squeeze %dma_start3A_230 : memref<1x64xf32, #tpu.memory_space<hbm>> -> memref<64xf32, #tpu.memory_space<hbm>>
          %dma_start3A_232 = arith.constant 0 : i32
          %dma_start3A_233 = tpu.memref_slice %arg6[%dma_start3A_225, %add3A_224, %dma_start3A_232] : memref<2x128x64xf32, #tpu.memory_space<vmem>> -> memref<1x1x64xf32, #tpu.memory_space<vmem>>
          %dma_start3A_234 = tpu.memref_squeeze %dma_start3A_233 : memref<1x1x64xf32, #tpu.memory_space<vmem>> -> memref<64xf32, #tpu.memory_space<vmem>>
          %dma_start3A_235 = arith.constant 0 : i32
          %dma_start3A_236 = tpu.memref_slice %arg2[%squeeze3A_220, %dma_start3A_235] : memref<1000000x64xf32, #tpu.memory_space<hbm>> -> memref<1x64xf32, #tpu.memory_space<hbm>>
          %dma_start3A_237 = tpu.memref_squeeze %dma_start3A_236 : memref<1x64xf32, #tpu.memory_space<hbm>> -> memref<64xf32, #tpu.memory_space<hbm>>
          tpu.enqueue_dma source(%dma_start3A_237 : memref<64xf32, #tpu.memory_space<hbm>>) target(%dma_start3A_234 : memref<64xf32, #tpu.memory_space<vmem>>) target_semaphore(%arg10 : memref<!tpu.dma_semaphore, #tpu.memory_space<semaphore_mem>>)
          %slice3A_238 = vector.extract_strided_slice %get3A_201 {offsets = [2], sizes = [1], strides = [1]} : vector<16xi32> to vector<1xi32>
          %squeeze3A_239 = vector.extract %slice3A_238[0] : i32 from vector<1xi32>
          %mul3A_240 = arith.constant 16 : i32
          %mul3A_241 = arith.muli %add3A_195, %mul3A_240 : i32
          %add3A_242 = arith.constant 2 : i32
          %add3A_243 = arith.addi %mul3A_241, %add3A_242 : i32
          %dma_start3A_244 = arith.constant 1 : i32
          %dma_start3A_245 = arith.constant 0 : i32
          %dma_start3A_246 = tpu.memref_slice %arg6[%dma_start3A_244, %add3A_243, %dma_start3A_245] : memref<2x128x64xf32, #tpu.memory_space<vmem>> -> memref<1x1x64xf32, #tpu.memory_space<vmem>>
          %dma_start3A_247 = tpu.memref_squeeze %dma_start3A_246 : memref<1x1x64xf32, #tpu.memory_space<vmem>> -> memref<64xf32, #tpu.memory_space<vmem>>
          %dma_start3A_248 = arith.constant 0 : i32
          %dma_start3A_249 = tpu.memref_slice %arg2[%squeeze3A_239, %dma_start3A_248] : memref<1000000x64xf32, #tpu.memory_space<hbm>> -> memref<1x64xf32, #tpu.memory_space<hbm>>
          %dma_start3A_250 = tpu.memref_squeeze %dma_start3A_249 : memref<1x64xf32, #tpu.memory_space<hbm>> -> memref<64xf32, #tpu.memory_space<hbm>>
          %dma_start3A_251 = arith.constant 0 : i32
          %dma_start3A_252 = tpu.memref_slice %arg6[%dma_start3A_244, %add3A_243, %dma_start3A_251] : memref<2x128x64xf32, #tpu.memory_space<vmem>> -> memref<1x1x64xf32, #tpu.memory_space<vmem>>
          %dma_start3A_253 = tpu.memref_squeeze %dma_start3A_252 : memref<1x1x64xf32, #tpu.memory_space<vmem>> -> memref<64xf32, #tpu.memory_space<vmem>>
          %dma_start3A_254 = arith.constant 0 : i32
          %dma_start3A_255 = tpu.memref_slice %arg2[%squeeze3A_239, %dma_start3A_254] : memref<1000000x64xf32, #tpu.memory_space<hbm>> -> memref<1x64xf32, #tpu.memory_space<hbm>>
          %dma_start3A_256 = tpu.memref_squeeze %dma_start3A_255 : memref<1x64xf32, #tpu.memory_space<hbm>> -> memref<64xf32, #tpu.memory_space<hbm>>
          tpu.enqueue_dma source(%dma_start3A_256 : memref<64xf32, #tpu.memory_space<hbm>>) target(%dma_start3A_253 : memref<64xf32, #tpu.memory_space<vmem>>) target_semaphore(%arg10 : memref<!tpu.dma_semaphore, #tpu.memory_space<semaphore_mem>>)
          %slice3A_257 = vector.extract_strided_slice %get3A_201 {offsets = [3], sizes = [1], strides = [1]} : vector<16xi32> to vector<1xi32>
          %squeeze3A_258 = vector.extract %slice3A_257[0] : i32 from vector<1xi32>
          %mul3A_259 = arith.constant 16 : i32
          %mul3A_260 = arith.muli %add3A_195, %mul3A_259 : i32
          %add3A_261 = arith.constant 3 : i32
          %add3A_262 = arith.addi %mul3A_260, %add3A_261 : i32
          %dma_start3A_263 = arith.constant 1 : i32
          %dma_start3A_264 = arith.constant 0 : i32
          %dma_start3A_265 = tpu.memref_slice %arg6[%dma_start3A_263, %add3A_262, %dma_start3A_264] : memref<2x128x64xf32, #tpu.memory_space<vmem>> -> memref<1x1x64xf32, #tpu.memory_space<vmem>>
          %dma_start3A_266 = tpu.memref_squeeze %dma_start3A_265 : memref<1x1x64xf32, #tpu.memory_space<vmem>> -> memref<64xf32, #tpu.memory_space<vmem>>
          %dma_start3A_267 = arith.constant 0 : i32
          %dma_start3A_268 = tpu.memref_slice %arg2[%squeeze3A_258, %dma_start3A_267] : memref<1000000x64xf32, #tpu.memory_space<hbm>> -> memref<1x64xf32, #tpu.memory_space<hbm>>
          %dma_start3A_269 = tpu.memref_squeeze %dma_start3A_268 : memref<1x64xf32, #tpu.memory_space<hbm>> -> memref<64xf32, #tpu.memory_space<hbm>>
          %dma_start3A_270 = arith.constant 0 : i32
          %dma_start3A_271 = tpu.memref_slice %arg6[%dma_start3A_263, %add3A_262, %dma_start3A_270] : memref<2x128x64xf32, #tpu.memory_space<vmem>> -> memref<1x1x64xf32, #tpu.memory_space<vmem>>
          %dma_start3A_272 = tpu.memref_squeeze %dma_start3A_271 : memref<1x1x64xf32, #tpu.memory_space<vmem>> -> memref<64xf32, #tpu.memory_space<vmem>>
          %dma_start3A_273 = arith.constant 0 : i32
          %dma_start3A_274 = tpu.memref_slice %arg2[%squeeze3A_258, %dma_start3A_273] : memref<1000000x64xf32, #tpu.memory_space<hbm>> -> memref<1x64xf32, #tpu.memory_space<hbm>>
          %dma_start3A_275 = tpu.memref_squeeze %dma_start3A_274 : memref<1x64xf32, #tpu.memory_space<hbm>> -> memref<64xf32, #tpu.memory_space<hbm>>
          tpu.enqueue_dma source(%dma_start3A_275 : memref<64xf32, #tpu.memory_space<hbm>>) target(%dma_start3A_272 : memref<64xf32, #tpu.memory_space<vmem>>) target_semaphore(%arg10 : memref<!tpu.dma_semaphore, #tpu.memory_space<semaphore_mem>>)
          %slice3A_276 = vector.extract_strided_slice %get3A_201 {offsets = [4], sizes = [1], strides = [1]} : vector<16xi32> to vector<1xi32>
          %squeeze3A_277 = vector.extract %slice3A_276[0] : i32 from vector<1xi32>
          %mul3A_278 = arith.constant 16 : i32
          %mul3A_279 = arith.muli %add3A_195, %mul3A_278 : i32
          %add3A_280 = arith.constant 4 : i32
          %add3A_281 = arith.addi %mul3A_279, %add3A_280 : i32
          %dma_start3A_282 = arith.constant 1 : i32
          %dma_start3A_283 = arith.constant 0 : i32
          %dma_start3A_284 = tpu.memref_slice %arg6[%dma_start3A_282, %add3A_281, %dma_start3A_283] : memref<2x128x64xf32, #tpu.memory_space<vmem>> -> memref<1x1x64xf32, #tpu.memory_space<vmem>>
          %dma_start3A_285 = tpu.memref_squeeze %dma_start3A_284 : memref<1x1x64xf32, #tpu.memory_space<vmem>> -> memref<64xf32, #tpu.memory_space<vmem>>
          %dma_start3A_286 = arith.constant 0 : i32
          %dma_start3A_287 = tpu.memref_slice %arg2[%squeeze3A_277, %dma_start3A_286] : memref<1000000x64xf32, #tpu.memory_space<hbm>> -> memref<1x64xf32, #tpu.memory_space<hbm>>
          %dma_start3A_288 = tpu.memref_squeeze %dma_start3A_287 : memref<1x64xf32, #tpu.memory_space<hbm>> -> memref<64xf32, #tpu.memory_space<hbm>>
          %dma_start3A_289 = arith.constant 0 : i32
          %dma_start3A_290 = tpu.memref_slice %arg6[%dma_start3A_282, %add3A_281, %dma_start3A_289] : memref<2x128x64xf32, #tpu.memory_space<vmem>> -> memref<1x1x64xf32, #tpu.memory_space<vmem>>
          %dma_start3A_291 = tpu.memref_squeeze %dma_start3A_290 : memref<1x1x64xf32, #tpu.memory_space<vmem>> -> memref<64xf32, #tpu.memory_space<vmem>>
          %dma_start3A_292 = arith.constant 0 : i32
          %dma_start3A_293 = tpu.memref_slice %arg2[%squeeze3A_277, %dma_start3A_292] : memref<1000000x64xf32, #tpu.memory_space<hbm>> -> memref<1x64xf32, #tpu.memory_space<hbm>>
          %dma_start3A_294 = tpu.memref_squeeze %dma_start3A_293 : memref<1x64xf32, #tpu.memory_space<hbm>> -> memref<64xf32, #tpu.memory_space<hbm>>
          tpu.enqueue_dma source(%dma_start3A_294 : memref<64xf32, #tpu.memory_space<hbm>>) target(%dma_start3A_291 : memref<64xf32, #tpu.memory_space<vmem>>) target_semaphore(%arg10 : memref<!tpu.dma_semaphore, #tpu.memory_space<semaphore_mem>>)
          %slice3A_295 = vector.extract_strided_slice %get3A_201 {offsets = [5], sizes = [1], strides = [1]} : vector<16xi32> to vector<1xi32>
          %squeeze3A_296 = vector.extract %slice3A_295[0] : i32 from vector<1xi32>
          %mul3A_297 = arith.constant 16 : i32
          %mul3A_298 = arith.muli %add3A_195, %mul3A_297 : i32
          %add3A_299 = arith.constant 5 : i32
          %add3A_300 = arith.addi %mul3A_298, %add3A_299 : i32
          %dma_start3A_301 = arith.constant 1 : i32
          %dma_start3A_302 = arith.constant 0 : i32
          %dma_start3A_303 = tpu.memref_slice %arg6[%dma_start3A_301, %add3A_300, %dma_start3A_302] : memref<2x128x64xf32, #tpu.memory_space<vmem>> -> memref<1x1x64xf32, #tpu.memory_space<vmem>>
          %dma_start3A_304 = tpu.memref_squeeze %dma_start3A_303 : memref<1x1x64xf32, #tpu.memory_space<vmem>> -> memref<64xf32, #tpu.memory_space<vmem>>
          %dma_start3A_305 = arith.constant 0 : i32
          %dma_start3A_306 = tpu.memref_slice %arg2[%squeeze3A_296, %dma_start3A_305] : memref<1000000x64xf32, #tpu.memory_space<hbm>> -> memref<1x64xf32, #tpu.memory_space<hbm>>
          %dma_start3A_307 = tpu.memref_squeeze %dma_start3A_306 : memref<1x64xf32, #tpu.memory_space<hbm>> -> memref<64xf32, #tpu.memory_space<hbm>>
          %dma_start3A_308 = arith.constant 0 : i32
          %dma_start3A_309 = tpu.memref_slice %arg6[%dma_start3A_301, %add3A_300, %dma_start3A_308] : memref<2x128x64xf32, #tpu.memory_space<vmem>> -> memref<1x1x64xf32, #tpu.memory_space<vmem>>
          %dma_start3A_310 = tpu.memref_squeeze %dma_start3A_309 : memref<1x1x64xf32, #tpu.memory_space<vmem>> -> memref<64xf32, #tpu.memory_space<vmem>>
          %dma_start3A_311 = arith.constant 0 : i32
          %dma_start3A_312 = tpu.memref_slice %arg2[%squeeze3A_296, %dma_start3A_311] : memref<1000000x64xf32, #tpu.memory_space<hbm>> -> memref<1x64xf32, #tpu.memory_space<hbm>>
          %dma_start3A_313 = tpu.memref_squeeze %dma_start3A_312 : memref<1x64xf32, #tpu.memory_space<hbm>> -> memref<64xf32, #tpu.memory_space<hbm>>
          tpu.enqueue_dma source(%dma_start3A_313 : memref<64xf32, #tpu.memory_space<hbm>>) target(%dma_start3A_310 : memref<64xf32, #tpu.memory_space<vmem>>) target_semaphore(%arg10 : memref<!tpu.dma_semaphore, #tpu.memory_space<semaphore_mem>>)
          %slice3A_314 = vector.extract_strided_slice %get3A_201 {offsets = [6], sizes = [1], strides = [1]} : vector<16xi32> to vector<1xi32>
          %squeeze3A_315 = vector.extract %slice3A_314[0] : i32 from vector<1xi32>
          %mul3A_316 = arith.constant 16 : i32
          %mul3A_317 = arith.muli %add3A_195, %mul3A_316 : i32
          %add3A_318 = arith.constant 6 : i32
          %add3A_319 = arith.addi %mul3A_317, %add3A_318 : i32
          %dma_start3A_320 = arith.constant 1 : i32
          %dma_start3A_321 = arith.constant 0 : i32
          %dma_start3A_322 = tpu.memref_slice %arg6[%dma_start3A_320, %add3A_319, %dma_start3A_321] : memref<2x128x64xf32, #tpu.memory_space<vmem>> -> memref<1x1x64xf32, #tpu.memory_space<vmem>>
          %dma_start3A_323 = tpu.memref_squeeze %dma_start3A_322 : memref<1x1x64xf32, #tpu.memory_space<vmem>> -> memref<64xf32, #tpu.memory_space<vmem>>
          %dma_start3A_324 = arith.constant 0 : i32
          %dma_start3A_325 = tpu.memref_slice %arg2[%squeeze3A_315, %dma_start3A_324] : memref<1000000x64xf32, #tpu.memory_space<hbm>> -> memref<1x64xf32, #tpu.memory_space<hbm>>
          %dma_start3A_326 = tpu.memref_squeeze %dma_start3A_325 : memref<1x64xf32, #tpu.memory_space<hbm>> -> memref<64xf32, #tpu.memory_space<hbm>>
          %dma_start3A_327 = arith.constant 0 : i32
          %dma_start3A_328 = tpu.memref_slice %arg6[%dma_start3A_320, %add3A_319, %dma_start3A_327] : memref<2x128x64xf32, #tpu.memory_space<vmem>> -> memref<1x1x64xf32, #tpu.memory_space<vmem>>
          %dma_start3A_329 = tpu.memref_squeeze %dma_start3A_328 : memref<1x1x64xf32, #tpu.memory_space<vmem>> -> memref<64xf32, #tpu.memory_space<vmem>>
          %dma_start3A_330 = arith.constant 0 : i32
          %dma_start3A_331 = tpu.memref_slice %arg2[%squeeze3A_315, %dma_start3A_330] : memref<1000000x64xf32, #tpu.memory_space<hbm>> -> memref<1x64xf32, #tpu.memory_space<hbm>>
          %dma_start3A_332 = tpu.memref_squeeze %dma_start3A_331 : memref<1x64xf32, #tpu.memory_space<hbm>> -> memref<64xf32, #tpu.memory_space<hbm>>
          tpu.enqueue_dma source(%dma_start3A_332 : memref<64xf32, #tpu.memory_space<hbm>>) target(%dma_start3A_329 : memref<64xf32, #tpu.memory_space<vmem>>) target_semaphore(%arg10 : memref<!tpu.dma_semaphore, #tpu.memory_space<semaphore_mem>>)
          %slice3A_333 = vector.extract_strided_slice %get3A_201 {offsets = [7], sizes = [1], strides = [1]} : vector<16xi32> to vector<1xi32>
          %squeeze3A_334 = vector.extract %slice3A_333[0] : i32 from vector<1xi32>
          %mul3A_335 = arith.constant 16 : i32
          %mul3A_336 = arith.muli %add3A_195, %mul3A_335 : i32
          %add3A_337 = arith.constant 7 : i32
          %add3A_338 = arith.addi %mul3A_336, %add3A_337 : i32
          %dma_start3A_339 = arith.constant 1 : i32
          %dma_start3A_340 = arith.constant 0 : i32
          %dma_start3A_341 = tpu.memref_slice %arg6[%dma_start3A_339, %add3A_338, %dma_start3A_340] : memref<2x128x64xf32, #tpu.memory_space<vmem>> -> memref<1x1x64xf32, #tpu.memory_space<vmem>>
          %dma_start3A_342 = tpu.memref_squeeze %dma_start3A_341 : memref<1x1x64xf32, #tpu.memory_space<vmem>> -> memref<64xf32, #tpu.memory_space<vmem>>
          %dma_start3A_343 = arith.constant 0 : i32
          %dma_start3A_344 = tpu.memref_slice %arg2[%squeeze3A_334, %dma_start3A_343] : memref<1000000x64xf32, #tpu.memory_space<hbm>> -> memref<1x64xf32, #tpu.memory_space<hbm>>
          %dma_start3A_345 = tpu.memref_squeeze %dma_start3A_344 : memref<1x64xf32, #tpu.memory_space<hbm>> -> memref<64xf32, #tpu.memory_space<hbm>>
          %dma_start3A_346 = arith.constant 0 : i32
          %dma_start3A_347 = tpu.memref_slice %arg6[%dma_start3A_339, %add3A_338, %dma_start3A_346] : memref<2x128x64xf32, #tpu.memory_space<vmem>> -> memref<1x1x64xf32, #tpu.memory_space<vmem>>
          %dma_start3A_348 = tpu.memref_squeeze %dma_start3A_347 : memref<1x1x64xf32, #tpu.memory_space<vmem>> -> memref<64xf32, #tpu.memory_space<vmem>>
          %dma_start3A_349 = arith.constant 0 : i32
          %dma_start3A_350 = tpu.memref_slice %arg2[%squeeze3A_334, %dma_start3A_349] : memref<1000000x64xf32, #tpu.memory_space<hbm>> -> memref<1x64xf32, #tpu.memory_space<hbm>>
          %dma_start3A_351 = tpu.memref_squeeze %dma_start3A_350 : memref<1x64xf32, #tpu.memory_space<hbm>> -> memref<64xf32, #tpu.memory_space<hbm>>
          tpu.enqueue_dma source(%dma_start3A_351 : memref<64xf32, #tpu.memory_space<hbm>>) target(%dma_start3A_348 : memref<64xf32, #tpu.memory_space<vmem>>) target_semaphore(%arg10 : memref<!tpu.dma_semaphore, #tpu.memory_space<semaphore_mem>>)
          %slice3A_352 = vector.extract_strided_slice %get3A_201 {offsets = [8], sizes = [1], strides = [1]} : vector<16xi32> to vector<1xi32>
          %squeeze3A_353 = vector.extract %slice3A_352[0] : i32 from vector<1xi32>
          %mul3A_354 = arith.constant 16 : i32
          %mul3A_355 = arith.muli %add3A_195, %mul3A_354 : i32
          %add3A_356 = arith.constant 8 : i32
          %add3A_357 = arith.addi %mul3A_355, %add3A_356 : i32
          %dma_start3A_358 = arith.constant 1 : i32
          %dma_start3A_359 = arith.constant 0 : i32
          %dma_start3A_360 = tpu.memref_slice %arg6[%dma_start3A_358, %add3A_357, %dma_start3A_359] : memref<2x128x64xf32, #tpu.memory_space<vmem>> -> memref<1x1x64xf32, #tpu.memory_space<vmem>>
          %dma_start3A_361 = tpu.memref_squeeze %dma_start3A_360 : memref<1x1x64xf32, #tpu.memory_space<vmem>> -> memref<64xf32, #tpu.memory_space<vmem>>
          %dma_start3A_362 = arith.constant 0 : i32
          %dma_start3A_363 = tpu.memref_slice %arg2[%squeeze3A_353, %dma_start3A_362] : memref<1000000x64xf32, #tpu.memory_space<hbm>> -> memref<1x64xf32, #tpu.memory_space<hbm>>
          %dma_start3A_364 = tpu.memref_squeeze %dma_start3A_363 : memref<1x64xf32, #tpu.memory_space<hbm>> -> memref<64xf32, #tpu.memory_space<hbm>>
          %dma_start3A_365 = arith.constant 0 : i32
          %dma_start3A_366 = tpu.memref_slice %arg6[%dma_start3A_358, %add3A_357, %dma_start3A_365] : memref<2x128x64xf32, #tpu.memory_space<vmem>> -> memref<1x1x64xf32, #tpu.memory_space<vmem>>
          %dma_start3A_367 = tpu.memref_squeeze %dma_start3A_366 : memref<1x1x64xf32, #tpu.memory_space<vmem>> -> memref<64xf32, #tpu.memory_space<vmem>>
          %dma_start3A_368 = arith.constant 0 : i32
          %dma_start3A_369 = tpu.memref_slice %arg2[%squeeze3A_353, %dma_start3A_368] : memref<1000000x64xf32, #tpu.memory_space<hbm>> -> memref<1x64xf32, #tpu.memory_space<hbm>>
          %dma_start3A_370 = tpu.memref_squeeze %dma_start3A_369 : memref<1x64xf32, #tpu.memory_space<hbm>> -> memref<64xf32, #tpu.memory_space<hbm>>
          tpu.enqueue_dma source(%dma_start3A_370 : memref<64xf32, #tpu.memory_space<hbm>>) target(%dma_start3A_367 : memref<64xf32, #tpu.memory_space<vmem>>) target_semaphore(%arg10 : memref<!tpu.dma_semaphore, #tpu.memory_space<semaphore_mem>>)
          %slice3A_371 = vector.extract_strided_slice %get3A_201 {offsets = [9], sizes = [1], strides = [1]} : vector<16xi32> to vector<1xi32>
          %squeeze3A_372 = vector.extract %slice3A_371[0] : i32 from vector<1xi32>
          %mul3A_373 = arith.constant 16 : i32
          %mul3A_374 = arith.muli %add3A_195, %mul3A_373 : i32
          %add3A_375 = arith.constant 9 : i32
          %add3A_376 = arith.addi %mul3A_374, %add3A_375 : i32
          %dma_start3A_377 = arith.constant 1 : i32
          %dma_start3A_378 = arith.constant 0 : i32
          %dma_start3A_379 = tpu.memref_slice %arg6[%dma_start3A_377, %add3A_376, %dma_start3A_378] : memref<2x128x64xf32, #tpu.memory_space<vmem>> -> memref<1x1x64xf32, #tpu.memory_space<vmem>>
          %dma_start3A_380 = tpu.memref_squeeze %dma_start3A_379 : memref<1x1x64xf32, #tpu.memory_space<vmem>> -> memref<64xf32, #tpu.memory_space<vmem>>
          %dma_start3A_381 = arith.constant 0 : i32
          %dma_start3A_382 = tpu.memref_slice %arg2[%squeeze3A_372, %dma_start3A_381] : memref<1000000x64xf32, #tpu.memory_space<hbm>> -> memref<1x64xf32, #tpu.memory_space<hbm>>
          %dma_start3A_383 = tpu.memref_squeeze %dma_start3A_382 : memref<1x64xf32, #tpu.memory_space<hbm>> -> memref<64xf32, #tpu.memory_space<hbm>>
          %dma_start3A_384 = arith.constant 0 : i32
          %dma_start3A_385 = tpu.memref_slice %arg6[%dma_start3A_377, %add3A_376, %dma_start3A_384] : memref<2x128x64xf32, #tpu.memory_space<vmem>> -> memref<1x1x64xf32, #tpu.memory_space<vmem>>
          %dma_start3A_386 = tpu.memref_squeeze %dma_start3A_385 : memref<1x1x64xf32, #tpu.memory_space<vmem>> -> memref<64xf32, #tpu.memory_space<vmem>>
          %dma_start3A_387 = arith.constant 0 : i32
          %dma_start3A_388 = tpu.memref_slice %arg2[%squeeze3A_372, %dma_start3A_387] : memref<1000000x64xf32, #tpu.memory_space<hbm>> -> memref<1x64xf32, #tpu.memory_space<hbm>>
          %dma_start3A_389 = tpu.memref_squeeze %dma_start3A_388 : memref<1x64xf32, #tpu.memory_space<hbm>> -> memref<64xf32, #tpu.memory_space<hbm>>
          tpu.enqueue_dma source(%dma_start3A_389 : memref<64xf32, #tpu.memory_space<hbm>>) target(%dma_start3A_386 : memref<64xf32, #tpu.memory_space<vmem>>) target_semaphore(%arg10 : memref<!tpu.dma_semaphore, #tpu.memory_space<semaphore_mem>>)
          %slice3A_390 = vector.extract_strided_slice %get3A_201 {offsets = [10], sizes = [1], strides = [1]} : vector<16xi32> to vector<1xi32>
          %squeeze3A_391 = vector.extract %slice3A_390[0] : i32 from vector<1xi32>
          %mul3A_392 = arith.constant 16 : i32
          %mul3A_393 = arith.muli %add3A_195, %mul3A_392 : i32
          %add3A_394 = arith.constant 10 : i32
          %add3A_395 = arith.addi %mul3A_393, %add3A_394 : i32
          %dma_start3A_396 = arith.constant 1 : i32
          %dma_start3A_397 = arith.constant 0 : i32
          %dma_start3A_398 = tpu.memref_slice %arg6[%dma_start3A_396, %add3A_395, %dma_start3A_397] : memref<2x128x64xf32, #tpu.memory_space<vmem>> -> memref<1x1x64xf32, #tpu.memory_space<vmem>>
          %dma_start3A_399 = tpu.memref_squeeze %dma_start3A_398 : memref<1x1x64xf32, #tpu.memory_space<vmem>> -> memref<64xf32, #tpu.memory_space<vmem>>
          %dma_start3A_400 = arith.constant 0 : i32
          %dma_start3A_401 = tpu.memref_slice %arg2[%squeeze3A_391, %dma_start3A_400] : memref<1000000x64xf32, #tpu.memory_space<hbm>> -> memref<1x64xf32, #tpu.memory_space<hbm>>
          %dma_start3A_402 = tpu.memref_squeeze %dma_start3A_401 : memref<1x64xf32, #tpu.memory_space<hbm>> -> memref<64xf32, #tpu.memory_space<hbm>>
          %dma_start3A_403 = arith.constant 0 : i32
          %dma_start3A_404 = tpu.memref_slice %arg6[%dma_start3A_396, %add3A_395, %dma_start3A_403] : memref<2x128x64xf32, #tpu.memory_space<vmem>> -> memref<1x1x64xf32, #tpu.memory_space<vmem>>
          %dma_start3A_405 = tpu.memref_squeeze %dma_start3A_404 : memref<1x1x64xf32, #tpu.memory_space<vmem>> -> memref<64xf32, #tpu.memory_space<vmem>>
          %dma_start3A_406 = arith.constant 0 : i32
          %dma_start3A_407 = tpu.memref_slice %arg2[%squeeze3A_391, %dma_start3A_406] : memref<1000000x64xf32, #tpu.memory_space<hbm>> -> memref<1x64xf32, #tpu.memory_space<hbm>>
          %dma_start3A_408 = tpu.memref_squeeze %dma_start3A_407 : memref<1x64xf32, #tpu.memory_space<hbm>> -> memref<64xf32, #tpu.memory_space<hbm>>
          tpu.enqueue_dma source(%dma_start3A_408 : memref<64xf32, #tpu.memory_space<hbm>>) target(%dma_start3A_405 : memref<64xf32, #tpu.memory_space<vmem>>) target_semaphore(%arg10 : memref<!tpu.dma_semaphore, #tpu.memory_space<semaphore_mem>>)
          %slice3A_409 = vector.extract_strided_slice %get3A_201 {offsets = [11], sizes = [1], strides = [1]} : vector<16xi32> to vector<1xi32>
          %squeeze3A_410 = vector.extract %slice3A_409[0] : i32 from vector<1xi32>
          %mul3A_411 = arith.constant 16 : i32
          %mul3A_412 = arith.muli %add3A_195, %mul3A_411 : i32
          %add3A_413 = arith.constant 11 : i32
          %add3A_414 = arith.addi %mul3A_412, %add3A_413 : i32
          %dma_start3A_415 = arith.constant 1 : i32
          %dma_start3A_416 = arith.constant 0 : i32
          %dma_start3A_417 = tpu.memref_slice %arg6[%dma_start3A_415, %add3A_414, %dma_start3A_416] : memref<2x128x64xf32, #tpu.memory_space<vmem>> -> memref<1x1x64xf32, #tpu.memory_space<vmem>>
          %dma_start3A_418 = tpu.memref_squeeze %dma_start3A_417 : memref<1x1x64xf32, #tpu.memory_space<vmem>> -> memref<64xf32, #tpu.memory_space<vmem>>
          %dma_start3A_419 = arith.constant 0 : i32
          %dma_start3A_420 = tpu.memref_slice %arg2[%squeeze3A_410, %dma_start3A_419] : memref<1000000x64xf32, #tpu.memory_space<hbm>> -> memref<1x64xf32, #tpu.memory_space<hbm>>
          %dma_start3A_421 = tpu.memref_squeeze %dma_start3A_420 : memref<1x64xf32, #tpu.memory_space<hbm>> -> memref<64xf32, #tpu.memory_space<hbm>>
          %dma_start3A_422 = arith.constant 0 : i32
          %dma_start3A_423 = tpu.memref_slice %arg6[%dma_start3A_415, %add3A_414, %dma_start3A_422] : memref<2x128x64xf32, #tpu.memory_space<vmem>> -> memref<1x1x64xf32, #tpu.memory_space<vmem>>
          %dma_start3A_424 = tpu.memref_squeeze %dma_start3A_423 : memref<1x1x64xf32, #tpu.memory_space<vmem>> -> memref<64xf32, #tpu.memory_space<vmem>>
          %dma_start3A_425 = arith.constant 0 : i32
          %dma_start3A_426 = tpu.memref_slice %arg2[%squeeze3A_410, %dma_start3A_425] : memref<1000000x64xf32, #tpu.memory_space<hbm>> -> memref<1x64xf32, #tpu.memory_space<hbm>>
          %dma_start3A_427 = tpu.memref_squeeze %dma_start3A_426 : memref<1x64xf32, #tpu.memory_space<hbm>> -> memref<64xf32, #tpu.memory_space<hbm>>
          tpu.enqueue_dma source(%dma_start3A_427 : memref<64xf32, #tpu.memory_space<hbm>>) target(%dma_start3A_424 : memref<64xf32, #tpu.memory_space<vmem>>) target_semaphore(%arg10 : memref<!tpu.dma_semaphore, #tpu.memory_space<semaphore_mem>>)
          %slice3A_428 = vector.extract_strided_slice %get3A_201 {offsets = [12], sizes = [1], strides = [1]} : vector<16xi32> to vector<1xi32>
          %squeeze3A_429 = vector.extract %slice3A_428[0] : i32 from vector<1xi32>
          %mul3A_430 = arith.constant 16 : i32
          %mul3A_431 = arith.muli %add3A_195, %mul3A_430 : i32
          %add3A_432 = arith.constant 12 : i32
          %add3A_433 = arith.addi %mul3A_431, %add3A_432 : i32
          %dma_start3A_434 = arith.constant 1 : i32
          %dma_start3A_435 = arith.constant 0 : i32
          %dma_start3A_436 = tpu.memref_slice %arg6[%dma_start3A_434, %add3A_433, %dma_start3A_435] : memref<2x128x64xf32, #tpu.memory_space<vmem>> -> memref<1x1x64xf32, #tpu.memory_space<vmem>>
          %dma_start3A_437 = tpu.memref_squeeze %dma_start3A_436 : memref<1x1x64xf32, #tpu.memory_space<vmem>> -> memref<64xf32, #tpu.memory_space<vmem>>
          %dma_start3A_438 = arith.constant 0 : i32
          %dma_start3A_439 = tpu.memref_slice %arg2[%squeeze3A_429, %dma_start3A_438] : memref<1000000x64xf32, #tpu.memory_space<hbm>> -> memref<1x64xf32, #tpu.memory_space<hbm>>
          %dma_start3A_440 = tpu.memref_squeeze %dma_start3A_439 : memref<1x64xf32, #tpu.memory_space<hbm>> -> memref<64xf32, #tpu.memory_space<hbm>>
          %dma_start3A_441 = arith.constant 0 : i32
          %dma_start3A_442 = tpu.memref_slice %arg6[%dma_start3A_434, %add3A_433, %dma_start3A_441] : memref<2x128x64xf32, #tpu.memory_space<vmem>> -> memref<1x1x64xf32, #tpu.memory_space<vmem>>
          %dma_start3A_443 = tpu.memref_squeeze %dma_start3A_442 : memref<1x1x64xf32, #tpu.memory_space<vmem>> -> memref<64xf32, #tpu.memory_space<vmem>>
          %dma_start3A_444 = arith.constant 0 : i32
          %dma_start3A_445 = tpu.memref_slice %arg2[%squeeze3A_429, %dma_start3A_444] : memref<1000000x64xf32, #tpu.memory_space<hbm>> -> memref<1x64xf32, #tpu.memory_space<hbm>>
          %dma_start3A_446 = tpu.memref_squeeze %dma_start3A_445 : memref<1x64xf32, #tpu.memory_space<hbm>> -> memref<64xf32, #tpu.memory_space<hbm>>
          tpu.enqueue_dma source(%dma_start3A_446 : memref<64xf32, #tpu.memory_space<hbm>>) target(%dma_start3A_443 : memref<64xf32, #tpu.memory_space<vmem>>) target_semaphore(%arg10 : memref<!tpu.dma_semaphore, #tpu.memory_space<semaphore_mem>>)
          %slice3A_447 = vector.extract_strided_slice %get3A_201 {offsets = [13], sizes = [1], strides = [1]} : vector<16xi32> to vector<1xi32>
          %squeeze3A_448 = vector.extract %slice3A_447[0] : i32 from vector<1xi32>
          %mul3A_449 = arith.constant 16 : i32
          %mul3A_450 = arith.muli %add3A_195, %mul3A_449 : i32
          %add3A_451 = arith.constant 13 : i32
          %add3A_452 = arith.addi %mul3A_450, %add3A_451 : i32
          %dma_start3A_453 = arith.constant 1 : i32
          %dma_start3A_454 = arith.constant 0 : i32
          %dma_start3A_455 = tpu.memref_slice %arg6[%dma_start3A_453, %add3A_452, %dma_start3A_454] : memref<2x128x64xf32, #tpu.memory_space<vmem>> -> memref<1x1x64xf32, #tpu.memory_space<vmem>>
          %dma_start3A_456 = tpu.memref_squeeze %dma_start3A_455 : memref<1x1x64xf32, #tpu.memory_space<vmem>> -> memref<64xf32, #tpu.memory_space<vmem>>
          %dma_start3A_457 = arith.constant 0 : i32
          %dma_start3A_458 = tpu.memref_slice %arg2[%squeeze3A_448, %dma_start3A_457] : memref<1000000x64xf32, #tpu.memory_space<hbm>> -> memref<1x64xf32, #tpu.memory_space<hbm>>
          %dma_start3A_459 = tpu.memref_squeeze %dma_start3A_458 : memref<1x64xf32, #tpu.memory_space<hbm>> -> memref<64xf32, #tpu.memory_space<hbm>>
          %dma_start3A_460 = arith.constant 0 : i32
          %dma_start3A_461 = tpu.memref_slice %arg6[%dma_start3A_453, %add3A_452, %dma_start3A_460] : memref<2x128x64xf32, #tpu.memory_space<vmem>> -> memref<1x1x64xf32, #tpu.memory_space<vmem>>
          %dma_start3A_462 = tpu.memref_squeeze %dma_start3A_461 : memref<1x1x64xf32, #tpu.memory_space<vmem>> -> memref<64xf32, #tpu.memory_space<vmem>>
          %dma_start3A_463 = arith.constant 0 : i32
          %dma_start3A_464 = tpu.memref_slice %arg2[%squeeze3A_448, %dma_start3A_463] : memref<1000000x64xf32, #tpu.memory_space<hbm>> -> memref<1x64xf32, #tpu.memory_space<hbm>>
          %dma_start3A_465 = tpu.memref_squeeze %dma_start3A_464 : memref<1x64xf32, #tpu.memory_space<hbm>> -> memref<64xf32, #tpu.memory_space<hbm>>
          tpu.enqueue_dma source(%dma_start3A_465 : memref<64xf32, #tpu.memory_space<hbm>>) target(%dma_start3A_462 : memref<64xf32, #tpu.memory_space<vmem>>) target_semaphore(%arg10 : memref<!tpu.dma_semaphore, #tpu.memory_space<semaphore_mem>>)
          %slice3A_466 = vector.extract_strided_slice %get3A_201 {offsets = [14], sizes = [1], strides = [1]} : vector<16xi32> to vector<1xi32>
          %squeeze3A_467 = vector.extract %slice3A_466[0] : i32 from vector<1xi32>
          %mul3A_468 = arith.constant 16 : i32
          %mul3A_469 = arith.muli %add3A_195, %mul3A_468 : i32
          %add3A_470 = arith.constant 14 : i32
          %add3A_471 = arith.addi %mul3A_469, %add3A_470 : i32
          %dma_start3A_472 = arith.constant 1 : i32
          %dma_start3A_473 = arith.constant 0 : i32
          %dma_start3A_474 = tpu.memref_slice %arg6[%dma_start3A_472, %add3A_471, %dma_start3A_473] : memref<2x128x64xf32, #tpu.memory_space<vmem>> -> memref<1x1x64xf32, #tpu.memory_space<vmem>>
          %dma_start3A_475 = tpu.memref_squeeze %dma_start3A_474 : memref<1x1x64xf32, #tpu.memory_space<vmem>> -> memref<64xf32, #tpu.memory_space<vmem>>
          %dma_start3A_476 = arith.constant 0 : i32
          %dma_start3A_477 = tpu.memref_slice %arg2[%squeeze3A_467, %dma_start3A_476] : memref<1000000x64xf32, #tpu.memory_space<hbm>> -> memref<1x64xf32, #tpu.memory_space<hbm>>
          %dma_start3A_478 = tpu.memref_squeeze %dma_start3A_477 : memref<1x64xf32, #tpu.memory_space<hbm>> -> memref<64xf32, #tpu.memory_space<hbm>>
          %dma_start3A_479 = arith.constant 0 : i32
          %dma_start3A_480 = tpu.memref_slice %arg6[%dma_start3A_472, %add3A_471, %dma_start3A_479] : memref<2x128x64xf32, #tpu.memory_space<vmem>> -> memref<1x1x64xf32, #tpu.memory_space<vmem>>
          %dma_start3A_481 = tpu.memref_squeeze %dma_start3A_480 : memref<1x1x64xf32, #tpu.memory_space<vmem>> -> memref<64xf32, #tpu.memory_space<vmem>>
          %dma_start3A_482 = arith.constant 0 : i32
          %dma_start3A_483 = tpu.memref_slice %arg2[%squeeze3A_467, %dma_start3A_482] : memref<1000000x64xf32, #tpu.memory_space<hbm>> -> memref<1x64xf32, #tpu.memory_space<hbm>>
          %dma_start3A_484 = tpu.memref_squeeze %dma_start3A_483 : memref<1x64xf32, #tpu.memory_space<hbm>> -> memref<64xf32, #tpu.memory_space<hbm>>
          tpu.enqueue_dma source(%dma_start3A_484 : memref<64xf32, #tpu.memory_space<hbm>>) target(%dma_start3A_481 : memref<64xf32, #tpu.memory_space<vmem>>) target_semaphore(%arg10 : memref<!tpu.dma_semaphore, #tpu.memory_space<semaphore_mem>>)
          %slice3A_485 = vector.extract_strided_slice %get3A_201 {offsets = [15], sizes = [1], strides = [1]} : vector<16xi32> to vector<1xi32>
          %squeeze3A_486 = vector.extract %slice3A_485[0] : i32 from vector<1xi32>
          %mul3A_487 = arith.constant 16 : i32
          %mul3A_488 = arith.muli %add3A_195, %mul3A_487 : i32
          %add3A_489 = arith.constant 15 : i32
          %add3A_490 = arith.addi %mul3A_488, %add3A_489 : i32
          %dma_start3A_491 = arith.constant 1 : i32
          %dma_start3A_492 = arith.constant 0 : i32
          %dma_start3A_493 = tpu.memref_slice %arg6[%dma_start3A_491, %add3A_490, %dma_start3A_492] : memref<2x128x64xf32, #tpu.memory_space<vmem>> -> memref<1x1x64xf32, #tpu.memory_space<vmem>>
          %dma_start3A_494 = tpu.memref_squeeze %dma_start3A_493 : memref<1x1x64xf32, #tpu.memory_space<vmem>> -> memref<64xf32, #tpu.memory_space<vmem>>
          %dma_start3A_495 = arith.constant 0 : i32
          %dma_start3A_496 = tpu.memref_slice %arg2[%squeeze3A_486, %dma_start3A_495] : memref<1000000x64xf32, #tpu.memory_space<hbm>> -> memref<1x64xf32, #tpu.memory_space<hbm>>
          %dma_start3A_497 = tpu.memref_squeeze %dma_start3A_496 : memref<1x64xf32, #tpu.memory_space<hbm>> -> memref<64xf32, #tpu.memory_space<hbm>>
          %dma_start3A_498 = arith.constant 0 : i32
          %dma_start3A_499 = tpu.memref_slice %arg6[%dma_start3A_491, %add3A_490, %dma_start3A_498] : memref<2x128x64xf32, #tpu.memory_space<vmem>> -> memref<1x1x64xf32, #tpu.memory_space<vmem>>
          %dma_start3A_500 = tpu.memref_squeeze %dma_start3A_499 : memref<1x1x64xf32, #tpu.memory_space<vmem>> -> memref<64xf32, #tpu.memory_space<vmem>>
          %dma_start3A_501 = arith.constant 0 : i32
          %dma_start3A_502 = tpu.memref_slice %arg2[%squeeze3A_486, %dma_start3A_501] : memref<1000000x64xf32, #tpu.memory_space<hbm>> -> memref<1x64xf32, #tpu.memory_space<hbm>>
          %dma_start3A_503 = tpu.memref_squeeze %dma_start3A_502 : memref<1x64xf32, #tpu.memory_space<hbm>> -> memref<64xf32, #tpu.memory_space<hbm>>
          tpu.enqueue_dma source(%dma_start3A_503 : memref<64xf32, #tpu.memory_space<hbm>>) target(%dma_start3A_500 : memref<64xf32, #tpu.memory_space<vmem>>) target_semaphore(%arg10 : memref<!tpu.dma_semaphore, #tpu.memory_space<semaphore_mem>>)
        }
        %scan3A_190 = arith.constant 8 : i32
      } else {
      }
      %add3A_84 = arith.constant 2 : i32
      %add3A_85 = arith.addi %add3A_79, %add3A_84 : i32
      %lt3A_86 = arith.constant 80 : i32
      %lt3A_87 = arith.cmpi slt, %add3A_85, %lt3A_86 : i32
      %convert_element_type3A_88 = arith.extui %lt3A_87 : i1 to i32
      %cond3A_89 = arith.constant 0 : i32
      %cond3A_90 = arith.cmpi ne, %convert_element_type3A_88, %cond3A_89 : i32
      scf.if %cond3A_90 {
        %add3A_169 = arith.constant 2 : i32
        %add3A_170 = arith.addi %add3A_79, %add3A_169 : i32
        %mul3A_171 = arith.constant 128 : i32
        %mul3A_172 = arith.muli %add3A_170, %mul3A_171 : i32
        %add3A_173 = arith.addi %mul3A_2, %mul3A_172 : i32
        %dma_start3A_174 = arith.constant 0 : i32
        %dma_start3A_175 = arith.constant 0 : i32
        %dma_start3A_176 = tpu.memref_slice %arg5[%dma_start3A_174, %dma_start3A_175] : memref<2x128xi32, #tpu.memory_space<vmem>> -> memref<1x128xi32, #tpu.memory_space<vmem>>
        %dma_start3A_177 = tpu.memref_squeeze %dma_start3A_176 : memref<1x128xi32, #tpu.memory_space<vmem>> -> memref<128xi32, #tpu.memory_space<vmem>>
        %dma_start3A_178 = tpu.memref_slice %arg3[%add3A_173] : memref<327680xi32, #tpu.memory_space<hbm>> -> memref<128xi32, #tpu.memory_space<hbm>>
        %dma_start3A_179 = arith.constant 0 : i32
        %dma_start3A_180 = tpu.memref_slice %arg5[%dma_start3A_174, %dma_start3A_179] : memref<2x128xi32, #tpu.memory_space<vmem>> -> memref<1x128xi32, #tpu.memory_space<vmem>>
        %dma_start3A_181 = tpu.memref_squeeze %dma_start3A_180 : memref<1x128xi32, #tpu.memory_space<vmem>> -> memref<128xi32, #tpu.memory_space<vmem>>
        %dma_start3A_182 = tpu.memref_slice %arg3[%add3A_173] : memref<327680xi32, #tpu.memory_space<hbm>> -> memref<128xi32, #tpu.memory_space<hbm>>
        tpu.enqueue_dma source(%dma_start3A_182 : memref<128xi32, #tpu.memory_space<hbm>>) target(%dma_start3A_181 : memref<128xi32, #tpu.memory_space<vmem>>) target_semaphore(%arg7 : memref<!tpu.dma_semaphore, #tpu.memory_space<semaphore_mem>>)
      } else {
      }
      %dma_wait3A_91 = arith.constant 0 : i32
      %dma_wait3A_92 = arith.constant 0 : i32
      %dma_wait3A_93 = arith.constant 0 : i32
      %dma_wait3A_94 = tpu.memref_slice %arg6[%dma_wait3A_91, %dma_wait3A_92, %dma_wait3A_93] : memref<2x128x64xf32, #tpu.memory_space<vmem>> -> memref<1x128x64xf32, #tpu.memory_space<vmem>>
      %dma_wait3A_95 = tpu.memref_squeeze %dma_wait3A_94 : memref<1x128x64xf32, #tpu.memory_space<vmem>> -> memref<128x64xf32, #tpu.memory_space<vmem>>
      %dma_wait3A_96 = arith.constant 0 : i32
      %dma_wait3A_97 = arith.constant 0 : i32
      %dma_wait3A_98 = tpu.memref_slice %arg2[%dma_wait3A_96, %dma_wait3A_97] : memref<1000000x64xf32, #tpu.memory_space<hbm>> -> memref<128x64xf32, #tpu.memory_space<hbm>>
      %dma_wait3A_99 = arith.constant 0 : i32
      %dma_wait3A_100 = arith.constant 0 : i32
      %dma_wait3A_101 = tpu.memref_slice %arg6[%dma_wait3A_91, %dma_wait3A_99, %dma_wait3A_100] : memref<2x128x64xf32, #tpu.memory_space<vmem>> -> memref<1x128x64xf32, #tpu.memory_space<vmem>>
      %dma_wait3A_102 = tpu.memref_squeeze %dma_wait3A_101 : memref<1x128x64xf32, #tpu.memory_space<vmem>> -> memref<128x64xf32, #tpu.memory_space<vmem>>
      %dma_wait3A_103 = arith.constant 0 : i32
      %dma_wait3A_104 = arith.constant 0 : i32
      %dma_wait3A_105 = tpu.memref_slice %arg2[%dma_wait3A_103, %dma_wait3A_104] : memref<1000000x64xf32, #tpu.memory_space<hbm>> -> memref<128x64xf32, #tpu.memory_space<hbm>>
      tpu.wait_dma2 semaphore(%arg9 : memref<!tpu.dma_semaphore, #tpu.memory_space<semaphore_mem>>) src(%dma_wait3A_105 : memref<128x64xf32, #tpu.memory_space<hbm>>) dst(%dma_wait3A_102 : memref<128x64xf32, #tpu.memory_space<vmem>>)
      %mul3A_106 = arith.constant 128 : i32
      %mul3A_107 = arith.muli %add3A_79, %mul3A_106 : i32
      %add3A_108 = arith.addi %mul3A_2, %mul3A_107 : i32
      %dma_start3A_109 = arith.constant 0 : i32
      %dma_start3A_110 = arith.constant 0 : i32
      %dma_start3A_111 = arith.constant 0 : i32
      %dma_start3A_112 = tpu.memref_slice %arg6[%dma_start3A_109, %dma_start3A_110, %dma_start3A_111] : memref<2x128x64xf32, #tpu.memory_space<vmem>> -> memref<1x128x64xf32, #tpu.memory_space<vmem>>
      %dma_start3A_113 = tpu.memref_squeeze %dma_start3A_112 : memref<1x128x64xf32, #tpu.memory_space<vmem>> -> memref<128x64xf32, #tpu.memory_space<vmem>>
      %dma_start3A_114 = arith.constant 0 : i32
      %dma_start3A_115 = tpu.memref_slice %arg4[%add3A_108, %dma_start3A_114] : memref<327680x64xf32, #tpu.memory_space<hbm>> -> memref<128x64xf32, #tpu.memory_space<hbm>>
      %dma_start3A_116 = arith.constant 0 : i32
      %dma_start3A_117 = tpu.memref_slice %arg4[%add3A_108, %dma_start3A_116] : memref<327680x64xf32, #tpu.memory_space<hbm>> -> memref<128x64xf32, #tpu.memory_space<hbm>>
      %dma_start3A_118 = arith.constant 0 : i32
      %dma_start3A_119 = arith.constant 0 : i32
      %dma_start3A_120 = tpu.memref_slice %arg6[%dma_start3A_109, %dma_start3A_118, %dma_start3A_119] : memref<2x128x64xf32, #tpu.memory_space<vmem>> -> memref<1x128x64xf32, #tpu.memory_space<vmem>>
      %dma_start3A_121 = tpu.memref_squeeze %dma_start3A_120 : memref<1x128x64xf32, #tpu.memory_space<vmem>> -> memref<128x64xf32, #tpu.memory_space<vmem>>
      tpu.enqueue_dma source(%dma_start3A_121 : memref<128x64xf32, #tpu.memory_space<vmem>>) target(%dma_start3A_117 : memref<128x64xf32, #tpu.memory_space<hbm>>) target_semaphore(%arg11 : memref<!tpu.dma_semaphore, #tpu.memory_space<semaphore_mem>>)
      %add3A_122 = arith.constant 1 : i32
      %add3A_123 = arith.addi %add3A_77, %add3A_122 : i32
      %add3A_124 = arith.constant 1 : i32
      %add3A_125 = arith.addi %add3A_123, %add3A_124 : i32
      %lt3A_126 = arith.constant 80 : i32
      %lt3A_127 = arith.cmpi slt, %add3A_125, %lt3A_126 : i32
      %convert_element_type3A_128 = arith.extui %lt3A_127 : i1 to i32
      %cond3A_129 = arith.constant 0 : i32
      %cond3A_130 = arith.cmpi ne, %convert_element_type3A_128, %cond3A_129 : i32
      scf.if %cond3A_130 {
        %dma_wait3A_169 = arith.constant 0 : i32
        %dma_wait3A_170 = arith.constant 0 : i32
        %dma_wait3A_171 = tpu.memref_slice %arg5[%dma_wait3A_169, %dma_wait3A_170] : memref<2x128xi32, #tpu.memory_space<vmem>> -> memref<1x128xi32, #tpu.memory_space<vmem>>
        %dma_wait3A_172 = tpu.memref_squeeze %dma_wait3A_171 : memref<1x128xi32, #tpu.memory_space<vmem>> -> memref<128xi32, #tpu.memory_space<vmem>>
        %dma_wait3A_173 = arith.constant 0 : i32
        %dma_wait3A_174 = tpu.memref_slice %arg3[%dma_wait3A_173] : memref<327680xi32, #tpu.memory_space<hbm>> -> memref<128xi32, #tpu.memory_space<hbm>>
        %dma_wait3A_175 = arith.constant 0 : i32
        %dma_wait3A_176 = tpu.memref_slice %arg5[%dma_wait3A_169, %dma_wait3A_175] : memref<2x128xi32, #tpu.memory_space<vmem>> -> memref<1x128xi32, #tpu.memory_space<vmem>>
        %dma_wait3A_177 = tpu.memref_squeeze %dma_wait3A_176 : memref<1x128xi32, #tpu.memory_space<vmem>> -> memref<128xi32, #tpu.memory_space<vmem>>
        %dma_wait3A_178 = arith.constant 0 : i32
        %dma_wait3A_179 = tpu.memref_slice %arg3[%dma_wait3A_178] : memref<327680xi32, #tpu.memory_space<hbm>> -> memref<128xi32, #tpu.memory_space<hbm>>
        tpu.wait_dma2 semaphore(%arg7 : memref<!tpu.dma_semaphore, #tpu.memory_space<semaphore_mem>>) src(%dma_wait3A_179 : memref<128xi32, #tpu.memory_space<hbm>>) dst(%dma_wait3A_177 : memref<128xi32, #tpu.memory_space<vmem>>)
        %add3A_180 = arith.constant 1 : i32
        %add3A_181 = arith.addi %add3A_123, %add3A_180 : i32
        %ge3A = arith.constant 2 : i32
        %ge3A_182 = arith.cmpi sge, %add3A_181, %ge3A : i32
        %convert_element_type3A_183 = arith.extui %ge3A_182 : i1 to i32
        %cond3A_184 = arith.constant 0 : i32
        %cond3A_185 = arith.cmpi ne, %convert_element_type3A_183, %cond3A_184 : i32
        scf.if %cond3A_185 {
          %dma_wait3A_191 = arith.constant 0 : i32
          %dma_wait3A_192 = arith.constant 0 : i32
          %dma_wait3A_193 = arith.constant 0 : i32
          %dma_wait3A_194 = tpu.memref_slice %arg6[%dma_wait3A_191, %dma_wait3A_192, %dma_wait3A_193] : memref<2x128x64xf32, #tpu.memory_space<vmem>> -> memref<1x128x64xf32, #tpu.memory_space<vmem>>
          %dma_wait3A_195 = tpu.memref_squeeze %dma_wait3A_194 : memref<1x128x64xf32, #tpu.memory_space<vmem>> -> memref<128x64xf32, #tpu.memory_space<vmem>>
          %dma_wait3A_196 = arith.constant 0 : i32
          %dma_wait3A_197 = arith.constant 0 : i32
          %dma_wait3A_198 = tpu.memref_slice %arg4[%dma_wait3A_196, %dma_wait3A_197] : memref<327680x64xf32, #tpu.memory_space<hbm>> -> memref<128x64xf32, #tpu.memory_space<hbm>>
          %dma_wait3A_199 = arith.constant 0 : i32
          %dma_wait3A_200 = arith.constant 0 : i32
          %dma_wait3A_201 = tpu.memref_slice %arg4[%dma_wait3A_199, %dma_wait3A_200] : memref<327680x64xf32, #tpu.memory_space<hbm>> -> memref<128x64xf32, #tpu.memory_space<hbm>>
          %dma_wait3A_202 = arith.constant 0 : i32
          %dma_wait3A_203 = arith.constant 0 : i32
          %dma_wait3A_204 = tpu.memref_slice %arg6[%dma_wait3A_191, %dma_wait3A_202, %dma_wait3A_203] : memref<2x128x64xf32, #tpu.memory_space<vmem>> -> memref<1x128x64xf32, #tpu.memory_space<vmem>>
          %dma_wait3A_205 = tpu.memref_squeeze %dma_wait3A_204 : memref<1x128x64xf32, #tpu.memory_space<vmem>> -> memref<128x64xf32, #tpu.memory_space<vmem>>
          tpu.wait_dma2 semaphore(%arg11 : memref<!tpu.dma_semaphore, #tpu.memory_space<semaphore_mem>>) src(%dma_wait3A_205 : memref<128x64xf32, #tpu.memory_space<vmem>>) dst(%dma_wait3A_201 : memref<128x64xf32, #tpu.memory_space<hbm>>)
        } else {
        }
        %scan3A_186 = arith.constant 0 : i32
        %scan3A_187 = arith.constant 8 : i32
        %scan3A_188 = arith.addi %scan3A_186, %scan3A_187 : i32
        %scan3A_189 = arith.constant 1 : i32
        scf.for %scan3A_191 = %scan3A_186 to %scan3A_188 step %scan3A_189  : i32 {
          %mul3A_192 = arith.constant 1 : i32
          %mul3A_193 = arith.muli %scan3A_191, %mul3A_192 : i32
          %add3A_194 = arith.constant 0 : i32
          %add3A_195 = arith.addi %add3A_194, %mul3A_193 : i32
          %mul3A_196 = arith.constant 16 : i32
          %mul3A_197 = arith.muli %add3A_195, %mul3A_196 : i32
          %get3A = arith.constant 0 : i32
          %get3A_198 = arith.index_cast %get3A : i32 to index
          %get3A_199 = arith.index_cast %mul3A_197 : i32 to index
          %get3A_200 = tpu.vector_load %arg5[%get3A_198, %get3A_199] {strides = array<i32>} : memref<2x128xi32, #tpu.memory_space<vmem>>, vector<1x16xi32>,
          %get3A_201 = vector.shape_cast %get3A_200 : vector<1x16xi32> to vector<16xi32>
          %slice3A = vector.extract_strided_slice %get3A_201 {offsets = [0], sizes = [1], strides = [1]} : vector<16xi32> to vector<1xi32>
          %squeeze3A = vector.extract %slice3A[0] : i32 from vector<1xi32>
          %mul3A_202 = arith.constant 16 : i32
          %mul3A_203 = arith.muli %add3A_195, %mul3A_202 : i32
          %add3A_204 = arith.constant 0 : i32
          %add3A_205 = arith.addi %mul3A_203, %add3A_204 : i32
          %dma_start3A_206 = arith.constant 0 : i32
          %dma_start3A_207 = arith.constant 0 : i32
          %dma_start3A_208 = tpu.memref_slice %arg6[%dma_start3A_206, %add3A_205, %dma_start3A_207] : memref<2x128x64xf32, #tpu.memory_space<vmem>> -> memref<1x1x64xf32, #tpu.memory_space<vmem>>
          %dma_start3A_209 = tpu.memref_squeeze %dma_start3A_208 : memref<1x1x64xf32, #tpu.memory_space<vmem>> -> memref<64xf32, #tpu.memory_space<vmem>>
          %dma_start3A_210 = arith.constant 0 : i32
          %dma_start3A_211 = tpu.memref_slice %arg2[%squeeze3A, %dma_start3A_210] : memref<1000000x64xf32, #tpu.memory_space<hbm>> -> memref<1x64xf32, #tpu.memory_space<hbm>>
          %dma_start3A_212 = tpu.memref_squeeze %dma_start3A_211 : memref<1x64xf32, #tpu.memory_space<hbm>> -> memref<64xf32, #tpu.memory_space<hbm>>
          %dma_start3A_213 = arith.constant 0 : i32
          %dma_start3A_214 = tpu.memref_slice %arg6[%dma_start3A_206, %add3A_205, %dma_start3A_213] : memref<2x128x64xf32, #tpu.memory_space<vmem>> -> memref<1x1x64xf32, #tpu.memory_space<vmem>>
          %dma_start3A_215 = tpu.memref_squeeze %dma_start3A_214 : memref<1x1x64xf32, #tpu.memory_space<vmem>> -> memref<64xf32, #tpu.memory_space<vmem>>
          %dma_start3A_216 = arith.constant 0 : i32
          %dma_start3A_217 = tpu.memref_slice %arg2[%squeeze3A, %dma_start3A_216] : memref<1000000x64xf32, #tpu.memory_space<hbm>> -> memref<1x64xf32, #tpu.memory_space<hbm>>
          %dma_start3A_218 = tpu.memref_squeeze %dma_start3A_217 : memref<1x64xf32, #tpu.memory_space<hbm>> -> memref<64xf32, #tpu.memory_space<hbm>>
          tpu.enqueue_dma source(%dma_start3A_218 : memref<64xf32, #tpu.memory_space<hbm>>) target(%dma_start3A_215 : memref<64xf32, #tpu.memory_space<vmem>>) target_semaphore(%arg9 : memref<!tpu.dma_semaphore, #tpu.memory_space<semaphore_mem>>)
          %slice3A_219 = vector.extract_strided_slice %get3A_201 {offsets = [1], sizes = [1], strides = [1]} : vector<16xi32> to vector<1xi32>
          %squeeze3A_220 = vector.extract %slice3A_219[0] : i32 from vector<1xi32>
          %mul3A_221 = arith.constant 16 : i32
          %mul3A_222 = arith.muli %add3A_195, %mul3A_221 : i32
          %add3A_223 = arith.constant 1 : i32
          %add3A_224 = arith.addi %mul3A_222, %add3A_223 : i32
          %dma_start3A_225 = arith.constant 0 : i32
          %dma_start3A_226 = arith.constant 0 : i32
          %dma_start3A_227 = tpu.memref_slice %arg6[%dma_start3A_225, %add3A_224, %dma_start3A_226] : memref<2x128x64xf32, #tpu.memory_space<vmem>> -> memref<1x1x64xf32, #tpu.memory_space<vmem>>
          %dma_start3A_228 = tpu.memref_squeeze %dma_start3A_227 : memref<1x1x64xf32, #tpu.memory_space<vmem>> -> memref<64xf32, #tpu.memory_space<vmem>>
          %dma_start3A_229 = arith.constant 0 : i32
          %dma_start3A_230 = tpu.memref_slice %arg2[%squeeze3A_220, %dma_start3A_229] : memref<1000000x64xf32, #tpu.memory_space<hbm>> -> memref<1x64xf32, #tpu.memory_space<hbm>>
          %dma_start3A_231 = tpu.memref_squeeze %dma_start3A_230 : memref<1x64xf32, #tpu.memory_space<hbm>> -> memref<64xf32, #tpu.memory_space<hbm>>
          %dma_start3A_232 = arith.constant 0 : i32
          %dma_start3A_233 = tpu.memref_slice %arg6[%dma_start3A_225, %add3A_224, %dma_start3A_232] : memref<2x128x64xf32, #tpu.memory_space<vmem>> -> memref<1x1x64xf32, #tpu.memory_space<vmem>>
          %dma_start3A_234 = tpu.memref_squeeze %dma_start3A_233 : memref<1x1x64xf32, #tpu.memory_space<vmem>> -> memref<64xf32, #tpu.memory_space<vmem>>
          %dma_start3A_235 = arith.constant 0 : i32
          %dma_start3A_236 = tpu.memref_slice %arg2[%squeeze3A_220, %dma_start3A_235] : memref<1000000x64xf32, #tpu.memory_space<hbm>> -> memref<1x64xf32, #tpu.memory_space<hbm>>
          %dma_start3A_237 = tpu.memref_squeeze %dma_start3A_236 : memref<1x64xf32, #tpu.memory_space<hbm>> -> memref<64xf32, #tpu.memory_space<hbm>>
          tpu.enqueue_dma source(%dma_start3A_237 : memref<64xf32, #tpu.memory_space<hbm>>) target(%dma_start3A_234 : memref<64xf32, #tpu.memory_space<vmem>>) target_semaphore(%arg9 : memref<!tpu.dma_semaphore, #tpu.memory_space<semaphore_mem>>)
          %slice3A_238 = vector.extract_strided_slice %get3A_201 {offsets = [2], sizes = [1], strides = [1]} : vector<16xi32> to vector<1xi32>
          %squeeze3A_239 = vector.extract %slice3A_238[0] : i32 from vector<1xi32>
          %mul3A_240 = arith.constant 16 : i32
          %mul3A_241 = arith.muli %add3A_195, %mul3A_240 : i32
          %add3A_242 = arith.constant 2 : i32
          %add3A_243 = arith.addi %mul3A_241, %add3A_242 : i32
          %dma_start3A_244 = arith.constant 0 : i32
          %dma_start3A_245 = arith.constant 0 : i32
          %dma_start3A_246 = tpu.memref_slice %arg6[%dma_start3A_244, %add3A_243, %dma_start3A_245] : memref<2x128x64xf32, #tpu.memory_space<vmem>> -> memref<1x1x64xf32, #tpu.memory_space<vmem>>
          %dma_start3A_247 = tpu.memref_squeeze %dma_start3A_246 : memref<1x1x64xf32, #tpu.memory_space<vmem>> -> memref<64xf32, #tpu.memory_space<vmem>>
          %dma_start3A_248 = arith.constant 0 : i32
          %dma_start3A_249 = tpu.memref_slice %arg2[%squeeze3A_239, %dma_start3A_248] : memref<1000000x64xf32, #tpu.memory_space<hbm>> -> memref<1x64xf32, #tpu.memory_space<hbm>>
          %dma_start3A_250 = tpu.memref_squeeze %dma_start3A_249 : memref<1x64xf32, #tpu.memory_space<hbm>> -> memref<64xf32, #tpu.memory_space<hbm>>
          %dma_start3A_251 = arith.constant 0 : i32
          %dma_start3A_252 = tpu.memref_slice %arg6[%dma_start3A_244, %add3A_243, %dma_start3A_251] : memref<2x128x64xf32, #tpu.memory_space<vmem>> -> memref<1x1x64xf32, #tpu.memory_space<vmem>>
          %dma_start3A_253 = tpu.memref_squeeze %dma_start3A_252 : memref<1x1x64xf32, #tpu.memory_space<vmem>> -> memref<64xf32, #tpu.memory_space<vmem>>
          %dma_start3A_254 = arith.constant 0 : i32
          %dma_start3A_255 = tpu.memref_slice %arg2[%squeeze3A_239, %dma_start3A_254] : memref<1000000x64xf32, #tpu.memory_space<hbm>> -> memref<1x64xf32, #tpu.memory_space<hbm>>
          %dma_start3A_256 = tpu.memref_squeeze %dma_start3A_255 : memref<1x64xf32, #tpu.memory_space<hbm>> -> memref<64xf32, #tpu.memory_space<hbm>>
          tpu.enqueue_dma source(%dma_start3A_256 : memref<64xf32, #tpu.memory_space<hbm>>) target(%dma_start3A_253 : memref<64xf32, #tpu.memory_space<vmem>>) target_semaphore(%arg9 : memref<!tpu.dma_semaphore, #tpu.memory_space<semaphore_mem>>)
          %slice3A_257 = vector.extract_strided_slice %get3A_201 {offsets = [3], sizes = [1], strides = [1]} : vector<16xi32> to vector<1xi32>
          %squeeze3A_258 = vector.extract %slice3A_257[0] : i32 from vector<1xi32>
          %mul3A_259 = arith.constant 16 : i32
          %mul3A_260 = arith.muli %add3A_195, %mul3A_259 : i32
          %add3A_261 = arith.constant 3 : i32
          %add3A_262 = arith.addi %mul3A_260, %add3A_261 : i32
          %dma_start3A_263 = arith.constant 0 : i32
          %dma_start3A_264 = arith.constant 0 : i32
          %dma_start3A_265 = tpu.memref_slice %arg6[%dma_start3A_263, %add3A_262, %dma_start3A_264] : memref<2x128x64xf32, #tpu.memory_space<vmem>> -> memref<1x1x64xf32, #tpu.memory_space<vmem>>
          %dma_start3A_266 = tpu.memref_squeeze %dma_start3A_265 : memref<1x1x64xf32, #tpu.memory_space<vmem>> -> memref<64xf32, #tpu.memory_space<vmem>>
          %dma_start3A_267 = arith.constant 0 : i32
          %dma_start3A_268 = tpu.memref_slice %arg2[%squeeze3A_258, %dma_start3A_267] : memref<1000000x64xf32, #tpu.memory_space<hbm>> -> memref<1x64xf32, #tpu.memory_space<hbm>>
          %dma_start3A_269 = tpu.memref_squeeze %dma_start3A_268 : memref<1x64xf32, #tpu.memory_space<hbm>> -> memref<64xf32, #tpu.memory_space<hbm>>
          %dma_start3A_270 = arith.constant 0 : i32
          %dma_start3A_271 = tpu.memref_slice %arg6[%dma_start3A_263, %add3A_262, %dma_start3A_270] : memref<2x128x64xf32, #tpu.memory_space<vmem>> -> memref<1x1x64xf32, #tpu.memory_space<vmem>>
          %dma_start3A_272 = tpu.memref_squeeze %dma_start3A_271 : memref<1x1x64xf32, #tpu.memory_space<vmem>> -> memref<64xf32, #tpu.memory_space<vmem>>
          %dma_start3A_273 = arith.constant 0 : i32
          %dma_start3A_274 = tpu.memref_slice %arg2[%squeeze3A_258, %dma_start3A_273] : memref<1000000x64xf32, #tpu.memory_space<hbm>> -> memref<1x64xf32, #tpu.memory_space<hbm>>
          %dma_start3A_275 = tpu.memref_squeeze %dma_start3A_274 : memref<1x64xf32, #tpu.memory_space<hbm>> -> memref<64xf32, #tpu.memory_space<hbm>>
          tpu.enqueue_dma source(%dma_start3A_275 : memref<64xf32, #tpu.memory_space<hbm>>) target(%dma_start3A_272 : memref<64xf32, #tpu.memory_space<vmem>>) target_semaphore(%arg9 : memref<!tpu.dma_semaphore, #tpu.memory_space<semaphore_mem>>)
          %slice3A_276 = vector.extract_strided_slice %get3A_201 {offsets = [4], sizes = [1], strides = [1]} : vector<16xi32> to vector<1xi32>
          %squeeze3A_277 = vector.extract %slice3A_276[0] : i32 from vector<1xi32>
          %mul3A_278 = arith.constant 16 : i32
          %mul3A_279 = arith.muli %add3A_195, %mul3A_278 : i32
          %add3A_280 = arith.constant 4 : i32
          %add3A_281 = arith.addi %mul3A_279, %add3A_280 : i32
          %dma_start3A_282 = arith.constant 0 : i32
          %dma_start3A_283 = arith.constant 0 : i32
          %dma_start3A_284 = tpu.memref_slice %arg6[%dma_start3A_282, %add3A_281, %dma_start3A_283] : memref<2x128x64xf32, #tpu.memory_space<vmem>> -> memref<1x1x64xf32, #tpu.memory_space<vmem>>
          %dma_start3A_285 = tpu.memref_squeeze %dma_start3A_284 : memref<1x1x64xf32, #tpu.memory_space<vmem>> -> memref<64xf32, #tpu.memory_space<vmem>>
          %dma_start3A_286 = arith.constant 0 : i32
          %dma_start3A_287 = tpu.memref_slice %arg2[%squeeze3A_277, %dma_start3A_286] : memref<1000000x64xf32, #tpu.memory_space<hbm>> -> memref<1x64xf32, #tpu.memory_space<hbm>>
          %dma_start3A_288 = tpu.memref_squeeze %dma_start3A_287 : memref<1x64xf32, #tpu.memory_space<hbm>> -> memref<64xf32, #tpu.memory_space<hbm>>
          %dma_start3A_289 = arith.constant 0 : i32
          %dma_start3A_290 = tpu.memref_slice %arg6[%dma_start3A_282, %add3A_281, %dma_start3A_289] : memref<2x128x64xf32, #tpu.memory_space<vmem>> -> memref<1x1x64xf32, #tpu.memory_space<vmem>>
          %dma_start3A_291 = tpu.memref_squeeze %dma_start3A_290 : memref<1x1x64xf32, #tpu.memory_space<vmem>> -> memref<64xf32, #tpu.memory_space<vmem>>
          %dma_start3A_292 = arith.constant 0 : i32
          %dma_start3A_293 = tpu.memref_slice %arg2[%squeeze3A_277, %dma_start3A_292] : memref<1000000x64xf32, #tpu.memory_space<hbm>> -> memref<1x64xf32, #tpu.memory_space<hbm>>
          %dma_start3A_294 = tpu.memref_squeeze %dma_start3A_293 : memref<1x64xf32, #tpu.memory_space<hbm>> -> memref<64xf32, #tpu.memory_space<hbm>>
          tpu.enqueue_dma source(%dma_start3A_294 : memref<64xf32, #tpu.memory_space<hbm>>) target(%dma_start3A_291 : memref<64xf32, #tpu.memory_space<vmem>>) target_semaphore(%arg9 : memref<!tpu.dma_semaphore, #tpu.memory_space<semaphore_mem>>)
          %slice3A_295 = vector.extract_strided_slice %get3A_201 {offsets = [5], sizes = [1], strides = [1]} : vector<16xi32> to vector<1xi32>
          %squeeze3A_296 = vector.extract %slice3A_295[0] : i32 from vector<1xi32>
          %mul3A_297 = arith.constant 16 : i32
          %mul3A_298 = arith.muli %add3A_195, %mul3A_297 : i32
          %add3A_299 = arith.constant 5 : i32
          %add3A_300 = arith.addi %mul3A_298, %add3A_299 : i32
          %dma_start3A_301 = arith.constant 0 : i32
          %dma_start3A_302 = arith.constant 0 : i32
          %dma_start3A_303 = tpu.memref_slice %arg6[%dma_start3A_301, %add3A_300, %dma_start3A_302] : memref<2x128x64xf32, #tpu.memory_space<vmem>> -> memref<1x1x64xf32, #tpu.memory_space<vmem>>
          %dma_start3A_304 = tpu.memref_squeeze %dma_start3A_303 : memref<1x1x64xf32, #tpu.memory_space<vmem>> -> memref<64xf32, #tpu.memory_space<vmem>>
          %dma_start3A_305 = arith.constant 0 : i32
          %dma_start3A_306 = tpu.memref_slice %arg2[%squeeze3A_296, %dma_start3A_305] : memref<1000000x64xf32, #tpu.memory_space<hbm>> -> memref<1x64xf32, #tpu.memory_space<hbm>>
          %dma_start3A_307 = tpu.memref_squeeze %dma_start3A_306 : memref<1x64xf32, #tpu.memory_space<hbm>> -> memref<64xf32, #tpu.memory_space<hbm>>
          %dma_start3A_308 = arith.constant 0 : i32
          %dma_start3A_309 = tpu.memref_slice %arg6[%dma_start3A_301, %add3A_300, %dma_start3A_308] : memref<2x128x64xf32, #tpu.memory_space<vmem>> -> memref<1x1x64xf32, #tpu.memory_space<vmem>>
          %dma_start3A_310 = tpu.memref_squeeze %dma_start3A_309 : memref<1x1x64xf32, #tpu.memory_space<vmem>> -> memref<64xf32, #tpu.memory_space<vmem>>
          %dma_start3A_311 = arith.constant 0 : i32
          %dma_start3A_312 = tpu.memref_slice %arg2[%squeeze3A_296, %dma_start3A_311] : memref<1000000x64xf32, #tpu.memory_space<hbm>> -> memref<1x64xf32, #tpu.memory_space<hbm>>
          %dma_start3A_313 = tpu.memref_squeeze %dma_start3A_312 : memref<1x64xf32, #tpu.memory_space<hbm>> -> memref<64xf32, #tpu.memory_space<hbm>>
          tpu.enqueue_dma source(%dma_start3A_313 : memref<64xf32, #tpu.memory_space<hbm>>) target(%dma_start3A_310 : memref<64xf32, #tpu.memory_space<vmem>>) target_semaphore(%arg9 : memref<!tpu.dma_semaphore, #tpu.memory_space<semaphore_mem>>)
          %slice3A_314 = vector.extract_strided_slice %get3A_201 {offsets = [6], sizes = [1], strides = [1]} : vector<16xi32> to vector<1xi32>
          %squeeze3A_315 = vector.extract %slice3A_314[0] : i32 from vector<1xi32>
          %mul3A_316 = arith.constant 16 : i32
          %mul3A_317 = arith.muli %add3A_195, %mul3A_316 : i32
          %add3A_318 = arith.constant 6 : i32
          %add3A_319 = arith.addi %mul3A_317, %add3A_318 : i32
          %dma_start3A_320 = arith.constant 0 : i32
          %dma_start3A_321 = arith.constant 0 : i32
          %dma_start3A_322 = tpu.memref_slice %arg6[%dma_start3A_320, %add3A_319, %dma_start3A_321] : memref<2x128x64xf32, #tpu.memory_space<vmem>> -> memref<1x1x64xf32, #tpu.memory_space<vmem>>
          %dma_start3A_323 = tpu.memref_squeeze %dma_start3A_322 : memref<1x1x64xf32, #tpu.memory_space<vmem>> -> memref<64xf32, #tpu.memory_space<vmem>>
          %dma_start3A_324 = arith.constant 0 : i32
          %dma_start3A_325 = tpu.memref_slice %arg2[%squeeze3A_315, %dma_start3A_324] : memref<1000000x64xf32, #tpu.memory_space<hbm>> -> memref<1x64xf32, #tpu.memory_space<hbm>>
          %dma_start3A_326 = tpu.memref_squeeze %dma_start3A_325 : memref<1x64xf32, #tpu.memory_space<hbm>> -> memref<64xf32, #tpu.memory_space<hbm>>
          %dma_start3A_327 = arith.constant 0 : i32
          %dma_start3A_328 = tpu.memref_slice %arg6[%dma_start3A_320, %add3A_319, %dma_start3A_327] : memref<2x128x64xf32, #tpu.memory_space<vmem>> -> memref<1x1x64xf32, #tpu.memory_space<vmem>>
          %dma_start3A_329 = tpu.memref_squeeze %dma_start3A_328 : memref<1x1x64xf32, #tpu.memory_space<vmem>> -> memref<64xf32, #tpu.memory_space<vmem>>
          %dma_start3A_330 = arith.constant 0 : i32
          %dma_start3A_331 = tpu.memref_slice %arg2[%squeeze3A_315, %dma_start3A_330] : memref<1000000x64xf32, #tpu.memory_space<hbm>> -> memref<1x64xf32, #tpu.memory_space<hbm>>
          %dma_start3A_332 = tpu.memref_squeeze %dma_start3A_331 : memref<1x64xf32, #tpu.memory_space<hbm>> -> memref<64xf32, #tpu.memory_space<hbm>>
          tpu.enqueue_dma source(%dma_start3A_332 : memref<64xf32, #tpu.memory_space<hbm>>) target(%dma_start3A_329 : memref<64xf32, #tpu.memory_space<vmem>>) target_semaphore(%arg9 : memref<!tpu.dma_semaphore, #tpu.memory_space<semaphore_mem>>)
          %slice3A_333 = vector.extract_strided_slice %get3A_201 {offsets = [7], sizes = [1], strides = [1]} : vector<16xi32> to vector<1xi32>
          %squeeze3A_334 = vector.extract %slice3A_333[0] : i32 from vector<1xi32>
          %mul3A_335 = arith.constant 16 : i32
          %mul3A_336 = arith.muli %add3A_195, %mul3A_335 : i32
          %add3A_337 = arith.constant 7 : i32
          %add3A_338 = arith.addi %mul3A_336, %add3A_337 : i32
          %dma_start3A_339 = arith.constant 0 : i32
          %dma_start3A_340 = arith.constant 0 : i32
          %dma_start3A_341 = tpu.memref_slice %arg6[%dma_start3A_339, %add3A_338, %dma_start3A_340] : memref<2x128x64xf32, #tpu.memory_space<vmem>> -> memref<1x1x64xf32, #tpu.memory_space<vmem>>
          %dma_start3A_342 = tpu.memref_squeeze %dma_start3A_341 : memref<1x1x64xf32, #tpu.memory_space<vmem>> -> memref<64xf32, #tpu.memory_space<vmem>>
          %dma_start3A_343 = arith.constant 0 : i32
          %dma_start3A_344 = tpu.memref_slice %arg2[%squeeze3A_334, %dma_start3A_343] : memref<1000000x64xf32, #tpu.memory_space<hbm>> -> memref<1x64xf32, #tpu.memory_space<hbm>>
          %dma_start3A_345 = tpu.memref_squeeze %dma_start3A_344 : memref<1x64xf32, #tpu.memory_space<hbm>> -> memref<64xf32, #tpu.memory_space<hbm>>
          %dma_start3A_346 = arith.constant 0 : i32
          %dma_start3A_347 = tpu.memref_slice %arg6[%dma_start3A_339, %add3A_338, %dma_start3A_346] : memref<2x128x64xf32, #tpu.memory_space<vmem>> -> memref<1x1x64xf32, #tpu.memory_space<vmem>>
          %dma_start3A_348 = tpu.memref_squeeze %dma_start3A_347 : memref<1x1x64xf32, #tpu.memory_space<vmem>> -> memref<64xf32, #tpu.memory_space<vmem>>
          %dma_start3A_349 = arith.constant 0 : i32
          %dma_start3A_350 = tpu.memref_slice %arg2[%squeeze3A_334, %dma_start3A_349] : memref<1000000x64xf32, #tpu.memory_space<hbm>> -> memref<1x64xf32, #tpu.memory_space<hbm>>
          %dma_start3A_351 = tpu.memref_squeeze %dma_start3A_350 : memref<1x64xf32, #tpu.memory_space<hbm>> -> memref<64xf32, #tpu.memory_space<hbm>>
          tpu.enqueue_dma source(%dma_start3A_351 : memref<64xf32, #tpu.memory_space<hbm>>) target(%dma_start3A_348 : memref<64xf32, #tpu.memory_space<vmem>>) target_semaphore(%arg9 : memref<!tpu.dma_semaphore, #tpu.memory_space<semaphore_mem>>)
          %slice3A_352 = vector.extract_strided_slice %get3A_201 {offsets = [8], sizes = [1], strides = [1]} : vector<16xi32> to vector<1xi32>
          %squeeze3A_353 = vector.extract %slice3A_352[0] : i32 from vector<1xi32>
          %mul3A_354 = arith.constant 16 : i32
          %mul3A_355 = arith.muli %add3A_195, %mul3A_354 : i32
          %add3A_356 = arith.constant 8 : i32
          %add3A_357 = arith.addi %mul3A_355, %add3A_356 : i32
          %dma_start3A_358 = arith.constant 0 : i32
          %dma_start3A_359 = arith.constant 0 : i32
          %dma_start3A_360 = tpu.memref_slice %arg6[%dma_start3A_358, %add3A_357, %dma_start3A_359] : memref<2x128x64xf32, #tpu.memory_space<vmem>> -> memref<1x1x64xf32, #tpu.memory_space<vmem>>
          %dma_start3A_361 = tpu.memref_squeeze %dma_start3A_360 : memref<1x1x64xf32, #tpu.memory_space<vmem>> -> memref<64xf32, #tpu.memory_space<vmem>>
          %dma_start3A_362 = arith.constant 0 : i32
          %dma_start3A_363 = tpu.memref_slice %arg2[%squeeze3A_353, %dma_start3A_362] : memref<1000000x64xf32, #tpu.memory_space<hbm>> -> memref<1x64xf32, #tpu.memory_space<hbm>>
          %dma_start3A_364 = tpu.memref_squeeze %dma_start3A_363 : memref<1x64xf32, #tpu.memory_space<hbm>> -> memref<64xf32, #tpu.memory_space<hbm>>
          %dma_start3A_365 = arith.constant 0 : i32
          %dma_start3A_366 = tpu.memref_slice %arg6[%dma_start3A_358, %add3A_357, %dma_start3A_365] : memref<2x128x64xf32, #tpu.memory_space<vmem>> -> memref<1x1x64xf32, #tpu.memory_space<vmem>>
          %dma_start3A_367 = tpu.memref_squeeze %dma_start3A_366 : memref<1x1x64xf32, #tpu.memory_space<vmem>> -> memref<64xf32, #tpu.memory_space<vmem>>
          %dma_start3A_368 = arith.constant 0 : i32
          %dma_start3A_369 = tpu.memref_slice %arg2[%squeeze3A_353, %dma_start3A_368] : memref<1000000x64xf32, #tpu.memory_space<hbm>> -> memref<1x64xf32, #tpu.memory_space<hbm>>
          %dma_start3A_370 = tpu.memref_squeeze %dma_start3A_369 : memref<1x64xf32, #tpu.memory_space<hbm>> -> memref<64xf32, #tpu.memory_space<hbm>>
          tpu.enqueue_dma source(%dma_start3A_370 : memref<64xf32, #tpu.memory_space<hbm>>) target(%dma_start3A_367 : memref<64xf32, #tpu.memory_space<vmem>>) target_semaphore(%arg9 : memref<!tpu.dma_semaphore, #tpu.memory_space<semaphore_mem>>)
          %slice3A_371 = vector.extract_strided_slice %get3A_201 {offsets = [9], sizes = [1], strides = [1]} : vector<16xi32> to vector<1xi32>
          %squeeze3A_372 = vector.extract %slice3A_371[0] : i32 from vector<1xi32>
          %mul3A_373 = arith.constant 16 : i32
          %mul3A_374 = arith.muli %add3A_195, %mul3A_373 : i32
          %add3A_375 = arith.constant 9 : i32
          %add3A_376 = arith.addi %mul3A_374, %add3A_375 : i32
          %dma_start3A_377 = arith.constant 0 : i32
          %dma_start3A_378 = arith.constant 0 : i32
          %dma_start3A_379 = tpu.memref_slice %arg6[%dma_start3A_377, %add3A_376, %dma_start3A_378] : memref<2x128x64xf32, #tpu.memory_space<vmem>> -> memref<1x1x64xf32, #tpu.memory_space<vmem>>
          %dma_start3A_380 = tpu.memref_squeeze %dma_start3A_379 : memref<1x1x64xf32, #tpu.memory_space<vmem>> -> memref<64xf32, #tpu.memory_space<vmem>>
          %dma_start3A_381 = arith.constant 0 : i32
          %dma_start3A_382 = tpu.memref_slice %arg2[%squeeze3A_372, %dma_start3A_381] : memref<1000000x64xf32, #tpu.memory_space<hbm>> -> memref<1x64xf32, #tpu.memory_space<hbm>>
          %dma_start3A_383 = tpu.memref_squeeze %dma_start3A_382 : memref<1x64xf32, #tpu.memory_space<hbm>> -> memref<64xf32, #tpu.memory_space<hbm>>
          %dma_start3A_384 = arith.constant 0 : i32
          %dma_start3A_385 = tpu.memref_slice %arg6[%dma_start3A_377, %add3A_376, %dma_start3A_384] : memref<2x128x64xf32, #tpu.memory_space<vmem>> -> memref<1x1x64xf32, #tpu.memory_space<vmem>>
          %dma_start3A_386 = tpu.memref_squeeze %dma_start3A_385 : memref<1x1x64xf32, #tpu.memory_space<vmem>> -> memref<64xf32, #tpu.memory_space<vmem>>
          %dma_start3A_387 = arith.constant 0 : i32
          %dma_start3A_388 = tpu.memref_slice %arg2[%squeeze3A_372, %dma_start3A_387] : memref<1000000x64xf32, #tpu.memory_space<hbm>> -> memref<1x64xf32, #tpu.memory_space<hbm>>
          %dma_start3A_389 = tpu.memref_squeeze %dma_start3A_388 : memref<1x64xf32, #tpu.memory_space<hbm>> -> memref<64xf32, #tpu.memory_space<hbm>>
          tpu.enqueue_dma source(%dma_start3A_389 : memref<64xf32, #tpu.memory_space<hbm>>) target(%dma_start3A_386 : memref<64xf32, #tpu.memory_space<vmem>>) target_semaphore(%arg9 : memref<!tpu.dma_semaphore, #tpu.memory_space<semaphore_mem>>)
          %slice3A_390 = vector.extract_strided_slice %get3A_201 {offsets = [10], sizes = [1], strides = [1]} : vector<16xi32> to vector<1xi32>
          %squeeze3A_391 = vector.extract %slice3A_390[0] : i32 from vector<1xi32>
          %mul3A_392 = arith.constant 16 : i32
          %mul3A_393 = arith.muli %add3A_195, %mul3A_392 : i32
          %add3A_394 = arith.constant 10 : i32
          %add3A_395 = arith.addi %mul3A_393, %add3A_394 : i32
          %dma_start3A_396 = arith.constant 0 : i32
          %dma_start3A_397 = arith.constant 0 : i32
          %dma_start3A_398 = tpu.memref_slice %arg6[%dma_start3A_396, %add3A_395, %dma_start3A_397] : memref<2x128x64xf32, #tpu.memory_space<vmem>> -> memref<1x1x64xf32, #tpu.memory_space<vmem>>
          %dma_start3A_399 = tpu.memref_squeeze %dma_start3A_398 : memref<1x1x64xf32, #tpu.memory_space<vmem>> -> memref<64xf32, #tpu.memory_space<vmem>>
          %dma_start3A_400 = arith.constant 0 : i32
          %dma_start3A_401 = tpu.memref_slice %arg2[%squeeze3A_391, %dma_start3A_400] : memref<1000000x64xf32, #tpu.memory_space<hbm>> -> memref<1x64xf32, #tpu.memory_space<hbm>>
          %dma_start3A_402 = tpu.memref_squeeze %dma_start3A_401 : memref<1x64xf32, #tpu.memory_space<hbm>> -> memref<64xf32, #tpu.memory_space<hbm>>
          %dma_start3A_403 = arith.constant 0 : i32
          %dma_start3A_404 = tpu.memref_slice %arg6[%dma_start3A_396, %add3A_395, %dma_start3A_403] : memref<2x128x64xf32, #tpu.memory_space<vmem>> -> memref<1x1x64xf32, #tpu.memory_space<vmem>>
          %dma_start3A_405 = tpu.memref_squeeze %dma_start3A_404 : memref<1x1x64xf32, #tpu.memory_space<vmem>> -> memref<64xf32, #tpu.memory_space<vmem>>
          %dma_start3A_406 = arith.constant 0 : i32
          %dma_start3A_407 = tpu.memref_slice %arg2[%squeeze3A_391, %dma_start3A_406] : memref<1000000x64xf32, #tpu.memory_space<hbm>> -> memref<1x64xf32, #tpu.memory_space<hbm>>
          %dma_start3A_408 = tpu.memref_squeeze %dma_start3A_407 : memref<1x64xf32, #tpu.memory_space<hbm>> -> memref<64xf32, #tpu.memory_space<hbm>>
          tpu.enqueue_dma source(%dma_start3A_408 : memref<64xf32, #tpu.memory_space<hbm>>) target(%dma_start3A_405 : memref<64xf32, #tpu.memory_space<vmem>>) target_semaphore(%arg9 : memref<!tpu.dma_semaphore, #tpu.memory_space<semaphore_mem>>)
          %slice3A_409 = vector.extract_strided_slice %get3A_201 {offsets = [11], sizes = [1], strides = [1]} : vector<16xi32> to vector<1xi32>
          %squeeze3A_410 = vector.extract %slice3A_409[0] : i32 from vector<1xi32>
          %mul3A_411 = arith.constant 16 : i32
          %mul3A_412 = arith.muli %add3A_195, %mul3A_411 : i32
          %add3A_413 = arith.constant 11 : i32
          %add3A_414 = arith.addi %mul3A_412, %add3A_413 : i32
          %dma_start3A_415 = arith.constant 0 : i32
          %dma_start3A_416 = arith.constant 0 : i32
          %dma_start3A_417 = tpu.memref_slice %arg6[%dma_start3A_415, %add3A_414, %dma_start3A_416] : memref<2x128x64xf32, #tpu.memory_space<vmem>> -> memref<1x1x64xf32, #tpu.memory_space<vmem>>
          %dma_start3A_418 = tpu.memref_squeeze %dma_start3A_417 : memref<1x1x64xf32, #tpu.memory_space<vmem>> -> memref<64xf32, #tpu.memory_space<vmem>>
          %dma_start3A_419 = arith.constant 0 : i32
          %dma_start3A_420 = tpu.memref_slice %arg2[%squeeze3A_410, %dma_start3A_419] : memref<1000000x64xf32, #tpu.memory_space<hbm>> -> memref<1x64xf32, #tpu.memory_space<hbm>>
          %dma_start3A_421 = tpu.memref_squeeze %dma_start3A_420 : memref<1x64xf32, #tpu.memory_space<hbm>> -> memref<64xf32, #tpu.memory_space<hbm>>
          %dma_start3A_422 = arith.constant 0 : i32
          %dma_start3A_423 = tpu.memref_slice %arg6[%dma_start3A_415, %add3A_414, %dma_start3A_422] : memref<2x128x64xf32, #tpu.memory_space<vmem>> -> memref<1x1x64xf32, #tpu.memory_space<vmem>>
          %dma_start3A_424 = tpu.memref_squeeze %dma_start3A_423 : memref<1x1x64xf32, #tpu.memory_space<vmem>> -> memref<64xf32, #tpu.memory_space<vmem>>
          %dma_start3A_425 = arith.constant 0 : i32
          %dma_start3A_426 = tpu.memref_slice %arg2[%squeeze3A_410, %dma_start3A_425] : memref<1000000x64xf32, #tpu.memory_space<hbm>> -> memref<1x64xf32, #tpu.memory_space<hbm>>
          %dma_start3A_427 = tpu.memref_squeeze %dma_start3A_426 : memref<1x64xf32, #tpu.memory_space<hbm>> -> memref<64xf32, #tpu.memory_space<hbm>>
          tpu.enqueue_dma source(%dma_start3A_427 : memref<64xf32, #tpu.memory_space<hbm>>) target(%dma_start3A_424 : memref<64xf32, #tpu.memory_space<vmem>>) target_semaphore(%arg9 : memref<!tpu.dma_semaphore, #tpu.memory_space<semaphore_mem>>)
          %slice3A_428 = vector.extract_strided_slice %get3A_201 {offsets = [12], sizes = [1], strides = [1]} : vector<16xi32> to vector<1xi32>
          %squeeze3A_429 = vector.extract %slice3A_428[0] : i32 from vector<1xi32>
          %mul3A_430 = arith.constant 16 : i32
          %mul3A_431 = arith.muli %add3A_195, %mul3A_430 : i32
          %add3A_432 = arith.constant 12 : i32
          %add3A_433 = arith.addi %mul3A_431, %add3A_432 : i32
          %dma_start3A_434 = arith.constant 0 : i32
          %dma_start3A_435 = arith.constant 0 : i32
          %dma_start3A_436 = tpu.memref_slice %arg6[%dma_start3A_434, %add3A_433, %dma_start3A_435] : memref<2x128x64xf32, #tpu.memory_space<vmem>> -> memref<1x1x64xf32, #tpu.memory_space<vmem>>
          %dma_start3A_437 = tpu.memref_squeeze %dma_start3A_436 : memref<1x1x64xf32, #tpu.memory_space<vmem>> -> memref<64xf32, #tpu.memory_space<vmem>>
          %dma_start3A_438 = arith.constant 0 : i32
          %dma_start3A_439 = tpu.memref_slice %arg2[%squeeze3A_429, %dma_start3A_438] : memref<1000000x64xf32, #tpu.memory_space<hbm>> -> memref<1x64xf32, #tpu.memory_space<hbm>>
          %dma_start3A_440 = tpu.memref_squeeze %dma_start3A_439 : memref<1x64xf32, #tpu.memory_space<hbm>> -> memref<64xf32, #tpu.memory_space<hbm>>
          %dma_start3A_441 = arith.constant 0 : i32
          %dma_start3A_442 = tpu.memref_slice %arg6[%dma_start3A_434, %add3A_433, %dma_start3A_441] : memref<2x128x64xf32, #tpu.memory_space<vmem>> -> memref<1x1x64xf32, #tpu.memory_space<vmem>>
          %dma_start3A_443 = tpu.memref_squeeze %dma_start3A_442 : memref<1x1x64xf32, #tpu.memory_space<vmem>> -> memref<64xf32, #tpu.memory_space<vmem>>
          %dma_start3A_444 = arith.constant 0 : i32
          %dma_start3A_445 = tpu.memref_slice %arg2[%squeeze3A_429, %dma_start3A_444] : memref<1000000x64xf32, #tpu.memory_space<hbm>> -> memref<1x64xf32, #tpu.memory_space<hbm>>
          %dma_start3A_446 = tpu.memref_squeeze %dma_start3A_445 : memref<1x64xf32, #tpu.memory_space<hbm>> -> memref<64xf32, #tpu.memory_space<hbm>>
          tpu.enqueue_dma source(%dma_start3A_446 : memref<64xf32, #tpu.memory_space<hbm>>) target(%dma_start3A_443 : memref<64xf32, #tpu.memory_space<vmem>>) target_semaphore(%arg9 : memref<!tpu.dma_semaphore, #tpu.memory_space<semaphore_mem>>)
          %slice3A_447 = vector.extract_strided_slice %get3A_201 {offsets = [13], sizes = [1], strides = [1]} : vector<16xi32> to vector<1xi32>
          %squeeze3A_448 = vector.extract %slice3A_447[0] : i32 from vector<1xi32>
          %mul3A_449 = arith.constant 16 : i32
          %mul3A_450 = arith.muli %add3A_195, %mul3A_449 : i32
          %add3A_451 = arith.constant 13 : i32
          %add3A_452 = arith.addi %mul3A_450, %add3A_451 : i32
          %dma_start3A_453 = arith.constant 0 : i32
          %dma_start3A_454 = arith.constant 0 : i32
          %dma_start3A_455 = tpu.memref_slice %arg6[%dma_start3A_453, %add3A_452, %dma_start3A_454] : memref<2x128x64xf32, #tpu.memory_space<vmem>> -> memref<1x1x64xf32, #tpu.memory_space<vmem>>
          %dma_start3A_456 = tpu.memref_squeeze %dma_start3A_455 : memref<1x1x64xf32, #tpu.memory_space<vmem>> -> memref<64xf32, #tpu.memory_space<vmem>>
          %dma_start3A_457 = arith.constant 0 : i32
          %dma_start3A_458 = tpu.memref_slice %arg2[%squeeze3A_448, %dma_start3A_457] : memref<1000000x64xf32, #tpu.memory_space<hbm>> -> memref<1x64xf32, #tpu.memory_space<hbm>>
          %dma_start3A_459 = tpu.memref_squeeze %dma_start3A_458 : memref<1x64xf32, #tpu.memory_space<hbm>> -> memref<64xf32, #tpu.memory_space<hbm>>
          %dma_start3A_460 = arith.constant 0 : i32
          %dma_start3A_461 = tpu.memref_slice %arg6[%dma_start3A_453, %add3A_452, %dma_start3A_460] : memref<2x128x64xf32, #tpu.memory_space<vmem>> -> memref<1x1x64xf32, #tpu.memory_space<vmem>>
          %dma_start3A_462 = tpu.memref_squeeze %dma_start3A_461 : memref<1x1x64xf32, #tpu.memory_space<vmem>> -> memref<64xf32, #tpu.memory_space<vmem>>
          %dma_start3A_463 = arith.constant 0 : i32
          %dma_start3A_464 = tpu.memref_slice %arg2[%squeeze3A_448, %dma_start3A_463] : memref<1000000x64xf32, #tpu.memory_space<hbm>> -> memref<1x64xf32, #tpu.memory_space<hbm>>
          %dma_start3A_465 = tpu.memref_squeeze %dma_start3A_464 : memref<1x64xf32, #tpu.memory_space<hbm>> -> memref<64xf32, #tpu.memory_space<hbm>>
          tpu.enqueue_dma source(%dma_start3A_465 : memref<64xf32, #tpu.memory_space<hbm>>) target(%dma_start3A_462 : memref<64xf32, #tpu.memory_space<vmem>>) target_semaphore(%arg9 : memref<!tpu.dma_semaphore, #tpu.memory_space<semaphore_mem>>)
          %slice3A_466 = vector.extract_strided_slice %get3A_201 {offsets = [14], sizes = [1], strides = [1]} : vector<16xi32> to vector<1xi32>
          %squeeze3A_467 = vector.extract %slice3A_466[0] : i32 from vector<1xi32>
          %mul3A_468 = arith.constant 16 : i32
          %mul3A_469 = arith.muli %add3A_195, %mul3A_468 : i32
          %add3A_470 = arith.constant 14 : i32
          %add3A_471 = arith.addi %mul3A_469, %add3A_470 : i32
          %dma_start3A_472 = arith.constant 0 : i32
          %dma_start3A_473 = arith.constant 0 : i32
          %dma_start3A_474 = tpu.memref_slice %arg6[%dma_start3A_472, %add3A_471, %dma_start3A_473] : memref<2x128x64xf32, #tpu.memory_space<vmem>> -> memref<1x1x64xf32, #tpu.memory_space<vmem>>
          %dma_start3A_475 = tpu.memref_squeeze %dma_start3A_474 : memref<1x1x64xf32, #tpu.memory_space<vmem>> -> memref<64xf32, #tpu.memory_space<vmem>>
          %dma_start3A_476 = arith.constant 0 : i32
          %dma_start3A_477 = tpu.memref_slice %arg2[%squeeze3A_467, %dma_start3A_476] : memref<1000000x64xf32, #tpu.memory_space<hbm>> -> memref<1x64xf32, #tpu.memory_space<hbm>>
          %dma_start3A_478 = tpu.memref_squeeze %dma_start3A_477 : memref<1x64xf32, #tpu.memory_space<hbm>> -> memref<64xf32, #tpu.memory_space<hbm>>
          %dma_start3A_479 = arith.constant 0 : i32
          %dma_start3A_480 = tpu.memref_slice %arg6[%dma_start3A_472, %add3A_471, %dma_start3A_479] : memref<2x128x64xf32, #tpu.memory_space<vmem>> -> memref<1x1x64xf32, #tpu.memory_space<vmem>>
          %dma_start3A_481 = tpu.memref_squeeze %dma_start3A_480 : memref<1x1x64xf32, #tpu.memory_space<vmem>> -> memref<64xf32, #tpu.memory_space<vmem>>
          %dma_start3A_482 = arith.constant 0 : i32
          %dma_start3A_483 = tpu.memref_slice %arg2[%squeeze3A_467, %dma_start3A_482] : memref<1000000x64xf32, #tpu.memory_space<hbm>> -> memref<1x64xf32, #tpu.memory_space<hbm>>
          %dma_start3A_484 = tpu.memref_squeeze %dma_start3A_483 : memref<1x64xf32, #tpu.memory_space<hbm>> -> memref<64xf32, #tpu.memory_space<hbm>>
          tpu.enqueue_dma source(%dma_start3A_484 : memref<64xf32, #tpu.memory_space<hbm>>) target(%dma_start3A_481 : memref<64xf32, #tpu.memory_space<vmem>>) target_semaphore(%arg9 : memref<!tpu.dma_semaphore, #tpu.memory_space<semaphore_mem>>)
          %slice3A_485 = vector.extract_strided_slice %get3A_201 {offsets = [15], sizes = [1], strides = [1]} : vector<16xi32> to vector<1xi32>
          %squeeze3A_486 = vector.extract %slice3A_485[0] : i32 from vector<1xi32>
          %mul3A_487 = arith.constant 16 : i32
          %mul3A_488 = arith.muli %add3A_195, %mul3A_487 : i32
          %add3A_489 = arith.constant 15 : i32
          %add3A_490 = arith.addi %mul3A_488, %add3A_489 : i32
          %dma_start3A_491 = arith.constant 0 : i32
          %dma_start3A_492 = arith.constant 0 : i32
          %dma_start3A_493 = tpu.memref_slice %arg6[%dma_start3A_491, %add3A_490, %dma_start3A_492] : memref<2x128x64xf32, #tpu.memory_space<vmem>> -> memref<1x1x64xf32, #tpu.memory_space<vmem>>
          %dma_start3A_494 = tpu.memref_squeeze %dma_start3A_493 : memref<1x1x64xf32, #tpu.memory_space<vmem>> -> memref<64xf32, #tpu.memory_space<vmem>>
          %dma_start3A_495 = arith.constant 0 : i32
          %dma_start3A_496 = tpu.memref_slice %arg2[%squeeze3A_486, %dma_start3A_495] : memref<1000000x64xf32, #tpu.memory_space<hbm>> -> memref<1x64xf32, #tpu.memory_space<hbm>>
          %dma_start3A_497 = tpu.memref_squeeze %dma_start3A_496 : memref<1x64xf32, #tpu.memory_space<hbm>> -> memref<64xf32, #tpu.memory_space<hbm>>
          %dma_start3A_498 = arith.constant 0 : i32
          %dma_start3A_499 = tpu.memref_slice %arg6[%dma_start3A_491, %add3A_490, %dma_start3A_498] : memref<2x128x64xf32, #tpu.memory_space<vmem>> -> memref<1x1x64xf32, #tpu.memory_space<vmem>>
          %dma_start3A_500 = tpu.memref_squeeze %dma_start3A_499 : memref<1x1x64xf32, #tpu.memory_space<vmem>> -> memref<64xf32, #tpu.memory_space<vmem>>
          %dma_start3A_501 = arith.constant 0 : i32
          %dma_start3A_502 = tpu.memref_slice %arg2[%squeeze3A_486, %dma_start3A_501] : memref<1000000x64xf32, #tpu.memory_space<hbm>> -> memref<1x64xf32, #tpu.memory_space<hbm>>
          %dma_start3A_503 = tpu.memref_squeeze %dma_start3A_502 : memref<1x64xf32, #tpu.memory_space<hbm>> -> memref<64xf32, #tpu.memory_space<hbm>>
          tpu.enqueue_dma source(%dma_start3A_503 : memref<64xf32, #tpu.memory_space<hbm>>) target(%dma_start3A_500 : memref<64xf32, #tpu.memory_space<vmem>>) target_semaphore(%arg9 : memref<!tpu.dma_semaphore, #tpu.memory_space<semaphore_mem>>)
        }
        %scan3A_190 = arith.constant 8 : i32
      } else {
      }
      %add3A_131 = arith.constant 2 : i32
      %add3A_132 = arith.addi %add3A_123, %add3A_131 : i32
      %lt3A_133 = arith.constant 80 : i32
      %lt3A_134 = arith.cmpi slt, %add3A_132, %lt3A_133 : i32
      %convert_element_type3A_135 = arith.extui %lt3A_134 : i1 to i32
      %cond3A_136 = arith.constant 0 : i32
      %cond3A_137 = arith.cmpi ne, %convert_element_type3A_135, %cond3A_136 : i32
      scf.if %cond3A_137 {
        %add3A_169 = arith.constant 2 : i32
        %add3A_170 = arith.addi %add3A_123, %add3A_169 : i32
        %mul3A_171 = arith.constant 128 : i32
        %mul3A_172 = arith.muli %add3A_170, %mul3A_171 : i32
        %add3A_173 = arith.addi %mul3A_2, %mul3A_172 : i32
        %dma_start3A_174 = arith.constant 1 : i32
        %dma_start3A_175 = arith.constant 0 : i32
        %dma_start3A_176 = tpu.memref_slice %arg5[%dma_start3A_174, %dma_start3A_175] : memref<2x128xi32, #tpu.memory_space<vmem>> -> memref<1x128xi32, #tpu.memory_space<vmem>>
        %dma_start3A_177 = tpu.memref_squeeze %dma_start3A_176 : memref<1x128xi32, #tpu.memory_space<vmem>> -> memref<128xi32, #tpu.memory_space<vmem>>
        %dma_start3A_178 = tpu.memref_slice %arg3[%add3A_173] : memref<327680xi32, #tpu.memory_space<hbm>> -> memref<128xi32, #tpu.memory_space<hbm>>
        %dma_start3A_179 = arith.constant 0 : i32
        %dma_start3A_180 = tpu.memref_slice %arg5[%dma_start3A_174, %dma_start3A_179] : memref<2x128xi32, #tpu.memory_space<vmem>> -> memref<1x128xi32, #tpu.memory_space<vmem>>
        %dma_start3A_181 = tpu.memref_squeeze %dma_start3A_180 : memref<1x128xi32, #tpu.memory_space<vmem>> -> memref<128xi32, #tpu.memory_space<vmem>>
        %dma_start3A_182 = tpu.memref_slice %arg3[%add3A_173] : memref<327680xi32, #tpu.memory_space<hbm>> -> memref<128xi32, #tpu.memory_space<hbm>>
        tpu.enqueue_dma source(%dma_start3A_182 : memref<128xi32, #tpu.memory_space<hbm>>) target(%dma_start3A_181 : memref<128xi32, #tpu.memory_space<vmem>>) target_semaphore(%arg8 : memref<!tpu.dma_semaphore, #tpu.memory_space<semaphore_mem>>)
      } else {
      }
      %dma_wait3A_138 = arith.constant 1 : i32
      %dma_wait3A_139 = arith.constant 0 : i32
      %dma_wait3A_140 = arith.constant 0 : i32
      %dma_wait3A_141 = tpu.memref_slice %arg6[%dma_wait3A_138, %dma_wait3A_139, %dma_wait3A_140] : memref<2x128x64xf32, #tpu.memory_space<vmem>> -> memref<1x128x64xf32, #tpu.memory_space<vmem>>
      %dma_wait3A_142 = tpu.memref_squeeze %dma_wait3A_141 : memref<1x128x64xf32, #tpu.memory_space<vmem>> -> memref<128x64xf32, #tpu.memory_space<vmem>>
      %dma_wait3A_143 = arith.constant 0 : i32
      %dma_wait3A_144 = arith.constant 0 : i32
      %dma_wait3A_145 = tpu.memref_slice %arg2[%dma_wait3A_143, %dma_wait3A_144] : memref<1000000x64xf32, #tpu.memory_space<hbm>> -> memref<128x64xf32, #tpu.memory_space<hbm>>
      %dma_wait3A_146 = arith.constant 0 : i32
      %dma_wait3A_147 = arith.constant 0 : i32
      %dma_wait3A_148 = tpu.memref_slice %arg6[%dma_wait3A_138, %dma_wait3A_146, %dma_wait3A_147] : memref<2x128x64xf32, #tpu.memory_space<vmem>> -> memref<1x128x64xf32, #tpu.memory_space<vmem>>
      %dma_wait3A_149 = tpu.memref_squeeze %dma_wait3A_148 : memref<1x128x64xf32, #tpu.memory_space<vmem>> -> memref<128x64xf32, #tpu.memory_space<vmem>>
      %dma_wait3A_150 = arith.constant 0 : i32
      %dma_wait3A_151 = arith.constant 0 : i32
      %dma_wait3A_152 = tpu.memref_slice %arg2[%dma_wait3A_150, %dma_wait3A_151] : memref<1000000x64xf32, #tpu.memory_space<hbm>> -> memref<128x64xf32, #tpu.memory_space<hbm>>
      tpu.wait_dma2 semaphore(%arg10 : memref<!tpu.dma_semaphore, #tpu.memory_space<semaphore_mem>>) src(%dma_wait3A_152 : memref<128x64xf32, #tpu.memory_space<hbm>>) dst(%dma_wait3A_149 : memref<128x64xf32, #tpu.memory_space<vmem>>)
      %mul3A_153 = arith.constant 128 : i32
      %mul3A_154 = arith.muli %add3A_123, %mul3A_153 : i32
      %add3A_155 = arith.addi %mul3A_2, %mul3A_154 : i32
      %dma_start3A_156 = arith.constant 1 : i32
      %dma_start3A_157 = arith.constant 0 : i32
      %dma_start3A_158 = arith.constant 0 : i32
      %dma_start3A_159 = tpu.memref_slice %arg6[%dma_start3A_156, %dma_start3A_157, %dma_start3A_158] : memref<2x128x64xf32, #tpu.memory_space<vmem>> -> memref<1x128x64xf32, #tpu.memory_space<vmem>>
      %dma_start3A_160 = tpu.memref_squeeze %dma_start3A_159 : memref<1x128x64xf32, #tpu.memory_space<vmem>> -> memref<128x64xf32, #tpu.memory_space<vmem>>
      %dma_start3A_161 = arith.constant 0 : i32
      %dma_start3A_162 = tpu.memref_slice %arg4[%add3A_155, %dma_start3A_161] : memref<327680x64xf32, #tpu.memory_space<hbm>> -> memref<128x64xf32, #tpu.memory_space<hbm>>
      %dma_start3A_163 = arith.constant 0 : i32
      %dma_start3A_164 = tpu.memref_slice %arg4[%add3A_155, %dma_start3A_163] : memref<327680x64xf32, #tpu.memory_space<hbm>> -> memref<128x64xf32, #tpu.memory_space<hbm>>
      %dma_start3A_165 = arith.constant 0 : i32
      %dma_start3A_166 = arith.constant 0 : i32
      %dma_start3A_167 = tpu.memref_slice %arg6[%dma_start3A_156, %dma_start3A_165, %dma_start3A_166] : memref<2x128x64xf32, #tpu.memory_space<vmem>> -> memref<1x128x64xf32, #tpu.memory_space<vmem>>
      %dma_start3A_168 = tpu.memref_squeeze %dma_start3A_167 : memref<1x128x64xf32, #tpu.memory_space<vmem>> -> memref<128x64xf32, #tpu.memory_space<vmem>>
      tpu.enqueue_dma source(%dma_start3A_168 : memref<128x64xf32, #tpu.memory_space<vmem>>) target(%dma_start3A_164 : memref<128x64xf32, #tpu.memory_space<hbm>>) target_semaphore(%arg12 : memref<!tpu.dma_semaphore, #tpu.memory_space<semaphore_mem>>)
    }
    %scan3A_42 = arith.constant 40 : i32
    %dma_wait3A_43 = arith.constant 0 : i32
    %dma_wait3A_44 = arith.constant 0 : i32
    %dma_wait3A_45 = arith.constant 0 : i32
    %dma_wait3A_46 = tpu.memref_slice %arg6[%dma_wait3A_43, %dma_wait3A_44, %dma_wait3A_45] : memref<2x128x64xf32, #tpu.memory_space<vmem>> -> memref<1x128x64xf32, #tpu.memory_space<vmem>>
    %dma_wait3A_47 = tpu.memref_squeeze %dma_wait3A_46 : memref<1x128x64xf32, #tpu.memory_space<vmem>> -> memref<128x64xf32, #tpu.memory_space<vmem>>
    %dma_wait3A_48 = arith.constant 0 : i32
    %dma_wait3A_49 = arith.constant 0 : i32
    %dma_wait3A_50 = tpu.memref_slice %arg4[%dma_wait3A_48, %dma_wait3A_49] : memref<327680x64xf32, #tpu.memory_space<hbm>> -> memref<128x64xf32, #tpu.memory_space<hbm>>
    %dma_wait3A_51 = arith.constant 0 : i32
    %dma_wait3A_52 = arith.constant 0 : i32
    %dma_wait3A_53 = tpu.memref_slice %arg4[%dma_wait3A_51, %dma_wait3A_52] : memref<327680x64xf32, #tpu.memory_space<hbm>> -> memref<128x64xf32, #tpu.memory_space<hbm>>
    %dma_wait3A_54 = arith.constant 0 : i32
    %dma_wait3A_55 = arith.constant 0 : i32
    %dma_wait3A_56 = tpu.memref_slice %arg6[%dma_wait3A_43, %dma_wait3A_54, %dma_wait3A_55] : memref<2x128x64xf32, #tpu.memory_space<vmem>> -> memref<1x128x64xf32, #tpu.memory_space<vmem>>
    %dma_wait3A_57 = tpu.memref_squeeze %dma_wait3A_56 : memref<1x128x64xf32, #tpu.memory_space<vmem>> -> memref<128x64xf32, #tpu.memory_space<vmem>>
    tpu.wait_dma2 semaphore(%arg11 : memref<!tpu.dma_semaphore, #tpu.memory_space<semaphore_mem>>) src(%dma_wait3A_57 : memref<128x64xf32, #tpu.memory_space<vmem>>) dst(%dma_wait3A_53 : memref<128x64xf32, #tpu.memory_space<hbm>>)
    %dma_wait3A_58 = arith.constant 1 : i32
    %dma_wait3A_59 = arith.constant 0 : i32
    %dma_wait3A_60 = arith.constant 0 : i32
    %dma_wait3A_61 = tpu.memref_slice %arg6[%dma_wait3A_58, %dma_wait3A_59, %dma_wait3A_60] : memref<2x128x64xf32, #tpu.memory_space<vmem>> -> memref<1x128x64xf32, #tpu.memory_space<vmem>>
    %dma_wait3A_62 = tpu.memref_squeeze %dma_wait3A_61 : memref<1x128x64xf32, #tpu.memory_space<vmem>> -> memref<128x64xf32, #tpu.memory_space<vmem>>
    %dma_wait3A_63 = arith.constant 0 : i32
    %dma_wait3A_64 = arith.constant 0 : i32
    %dma_wait3A_65 = tpu.memref_slice %arg4[%dma_wait3A_63, %dma_wait3A_64] : memref<327680x64xf32, #tpu.memory_space<hbm>> -> memref<128x64xf32, #tpu.memory_space<hbm>>
    %dma_wait3A_66 = arith.constant 0 : i32
    %dma_wait3A_67 = arith.constant 0 : i32
    %dma_wait3A_68 = tpu.memref_slice %arg4[%dma_wait3A_66, %dma_wait3A_67] : memref<327680x64xf32, #tpu.memory_space<hbm>> -> memref<128x64xf32, #tpu.memory_space<hbm>>
    %dma_wait3A_69 = arith.constant 0 : i32
    %dma_wait3A_70 = arith.constant 0 : i32
    %dma_wait3A_71 = tpu.memref_slice %arg6[%dma_wait3A_58, %dma_wait3A_69, %dma_wait3A_70] : memref<2x128x64xf32, #tpu.memory_space<vmem>> -> memref<1x128x64xf32, #tpu.memory_space<vmem>>
    %dma_wait3A_72 = tpu.memref_squeeze %dma_wait3A_71 : memref<1x128x64xf32, #tpu.memory_space<vmem>> -> memref<128x64xf32, #tpu.memory_space<vmem>>
    tpu.wait_dma2 semaphore(%arg12 : memref<!tpu.dma_semaphore, #tpu.memory_space<semaphore_mem>>) src(%dma_wait3A_72 : memref<128x64xf32, #tpu.memory_space<vmem>>) dst(%dma_wait3A_68 : memref<128x64xf32, #tpu.memory_space<hbm>>)
    return
  }
}

module attributes {stable_mosaic.version = 14 : i64} {
  func.func @body(%arg0: i32, %arg1: memref<16384x64xf32, #tpu.memory_space<vmem>>, %arg2: memref<16x16384xf32, #tpu.memory_space<vmem>>, %arg3: memref<64x64xf32, #tpu.memory_space<vmem>>, %arg4: memref<16x64xf32, #tpu.memory_space<vmem>>, %arg5: memref<64x1xf32, #tpu.memory_space<vmem>>, %arg6: memref<64x16384xf32, #tpu.memory_space<vmem>>) attributes {dimension_semantics = [#tpu.dimension_semantics<arbitrary>], iteration_bounds = array<i64: 20>, scalar_prefetch = 0 : i64, scratch_operands = 0 : i64, tpu.core_type = #tpu.core_type<tc>, window_params = [{transform_indices = @transform_0, window_bounds = array<i64: 16384, 64>}, {transform_indices = @transform_1, window_bounds = array<i64: 16, 16384>}, {pipeline_mode = #tpu.pipeline_mode<synchronous>, transform_indices = @transform_2, window_bounds = array<i64: 64, 64>}, {pipeline_mode = #tpu.pipeline_mode<synchronous>, transform_indices = @transform_3, window_bounds = array<i64: 16, 64>}, {pipeline_mode = #tpu.pipeline_mode<synchronous>, transform_indices = @transform_4, window_bounds = array<i64: 64, 1>}, {transform_indices = @transform_5, window_bounds = array<i64: 64, 16384>}]} {
    %get3A = arith.constant 0 : index
    %get3A_0 = arith.constant 0 : index
    %get3A_1 = vector.load %arg3[%get3A, %get3A_0] : memref<64x64xf32, #tpu.memory_space<vmem>>, vector<64x64xf32>
    %get3A_2 = arith.constant 0 : index
    %get3A_3 = arith.constant 0 : index
    %get3A_4 = vector.load %arg1[%get3A_2, %get3A_3] : memref<16384x64xf32, #tpu.memory_space<vmem>>, vector<16384x64xf32>
    %dot_general3A = arith.constant dense<0.000000e+00> : vector<64x16384xf32>
    %dot_general3A_5 = tpu.matmul %get3A_1, %get3A_4, %dot_general3A {dimension_numbers = #tpu.dot_dimension_numbers<[0], [1], [1], [0], [0, 1, 1, 0], [], []>, transpose_lhs_hint = false} : vector<64x64xf32>, vector<16384x64xf32>, vector<64x16384xf32> -> vector<64x16384xf32>
    %get3A_6 = arith.constant 0 : index
    %get3A_7 = arith.constant 0 : index
    %get3A_8 = vector.load %arg4[%get3A_6, %get3A_7] : memref<16x64xf32, #tpu.memory_space<vmem>>, vector<16x64xf32>
    %get3A_9 = arith.constant 0 : index
    %get3A_10 = arith.constant 0 : index
    %get3A_11 = vector.load %arg2[%get3A_9, %get3A_10] : memref<16x16384xf32, #tpu.memory_space<vmem>>, vector<16x16384xf32>
    %dot_general3A_12 = arith.constant dense<0.000000e+00> : vector<64x16384xf32>
    %dot_general3A_13 = tpu.matmul %get3A_8, %get3A_11, %dot_general3A_12 {dimension_numbers = #tpu.dot_dimension_numbers<[0], [0], [1], [1], [0, 1, 1, 1], [], []>, transpose_lhs_hint = false} : vector<16x64xf32>, vector<16x16384xf32>, vector<64x16384xf32> -> vector<64x16384xf32>
    %add3A = arith.addf %dot_general3A_5, %dot_general3A_13 : vector<64x16384xf32>
    %get3A_14 = arith.constant 0 : index
    %get3A_15 = arith.constant 0 : index
    %get3A_16 = vector.load %arg5[%get3A_14, %get3A_15] : memref<64x1xf32, #tpu.memory_space<vmem>>, vector<64x1xf32>
    %add3A_17 = vector.broadcast %get3A_16 : vector<64x1xf32> to vector<64x16384xf32>
    %add3A_18 = arith.addf %add3A, %add3A_17 : vector<64x16384xf32>
    %swap3A = arith.constant 0 : index
    %swap3A_19 = arith.constant 0 : index
    %swap3A_20 = vector.load %arg6[%swap3A, %swap3A_19] : memref<64x16384xf32, #tpu.memory_space<vmem>>, vector<64x16384xf32>
    tpu.vector_store %arg6[%swap3A, %swap3A_19], %add3A_18 {strides = array<i32>} : memref<64x16384xf32, #tpu.memory_space<vmem>>, vector<64x16384xf32>,
    return
  }
  func.func @transform_0(%arg0: i32) -> (i32, i32) {
    %c0_i32 = arith.constant 0 : i32
    %c0_i32_0 = arith.constant 0 : i32
    return %arg0, %c0_i32 : i32, i32
  }
  func.func @transform_1(%arg0: i32) -> (i32, i32) {
    %c0_i32 = arith.constant 0 : i32
    %c0_i32_0 = arith.constant 0 : i32
    return %c0_i32, %arg0 : i32, i32
  }
  func.func @transform_2(%arg0: i32) -> (i32, i32) {
    %c0_i32 = arith.constant 0 : i32
    %c0_i32_0 = arith.constant 0 : i32
    %c0_i32_1 = arith.constant 0 : i32
    return %c0_i32, %c0_i32_0 : i32, i32
  }
  func.func @transform_3(%arg0: i32) -> (i32, i32) {
    %c0_i32 = arith.constant 0 : i32
    %c0_i32_0 = arith.constant 0 : i32
    %c0_i32_1 = arith.constant 0 : i32
    return %c0_i32, %c0_i32_0 : i32, i32
  }
  func.func @transform_4(%arg0: i32) -> (i32, i32) {
    %c0_i32 = arith.constant 0 : i32
    %c0_i32_0 = arith.constant 0 : i32
    %c0_i32_1 = arith.constant 0 : i32
    return %c0_i32, %c0_i32_0 : i32, i32
  }
  func.func @transform_5(%arg0: i32) -> (i32, i32) {
    %c0_i32 = arith.constant 0 : i32
    %c0_i32_0 = arith.constant 0 : i32
    return %c0_i32, %arg0 : i32, i32
  }
}

</mosaic_0001>

<sc_bundles>
// kernel: kernel.4.cloned.1.call-start
scs
__scs_entry_jumppad:
0x0: {  	(pc) =	sbr.rel $0x88, $3  }
0x1: {  	(tag) =	ssettag $0x0;
	lr =	simm.s32 $0x1  }
0x2: {  	[smem:$0x3F9C] =	sst lr;
	_ =	strace $0xD0000000  }
0x3: {  	_ = 	snop  }
0x4: {  	_ = 	snop  }
0x5: {  	_ = 	snop  }
0x6: {  	_ = 	snop  }
0x7: {  	_ = 	snop  }
__scs_overlays_trampoline_lowered:
0x8: {  	[smem:$0x3FAB] =	sst s0  }
0x9: {  	[smem:$0x3FAC] =	sst s1  }
0xa: {  	[smem:$0x3FAD] =	sst s2  }
0xb: {  	[smem:$0x3FAE] =	sst s3  }
0xc: {  	[smem:$0x3FAF] =	sst s4  }
0xd: {  	[smem:$0x3FB0] =	sst s5  }
0xe: {  	[smem:$0x3FB1] =	sst s6  }
0xf: {  	[smem:$0x3FB2] =	sst s7  }
0x10: {  	[smem:$0x3FB3] =	sst s8  }
0x11: {  	[smem:$0x3FB4] =	sst s9;
	s0 =	simm.s32 @!p0 $0x0  }
0x12: {  	s1 =	sld [smem:$0x3F9A];
	s0 =	simm.s32 @p0 $0x1  }
0x13: {  	[smem:$0x3FB5] =	sst s0;
	s0 =	simm.s32 @!p1 $0x0  }
0x14: {  	s2 =	sld [smem:$0x3F99];
	s0 =	simm.s32 @p1 $0x1  }
0x15: {  	[smem:$0x3FB6] =	sst s0;
	s0 =	simm.s32 @!p2 $0x0  }
0x16: {  	s3 =	sld [smem:$0x3FDB];
	s0 =	simm.s32 @p2 $0x1  }
0x17: {  	s4 =	simm.s32 $0x1BF5;
	[smem:$0x3FB8] =	sst s0  }
0x18: {  	s0 =	sld [smem:$0x3F9B];
	_ =	swait.ge [sflag:s4], $0x0  }
0x19: {  	s7 =	sld [smem:$0x3F9C]  }
0x1a: {  	s8 =	sadd.s32 $0xFFFFE003, lr  }
0x1b: {  	s9 =	sadd.s32 $0xFFFFFEF7, lr;
	s5 =	simm.s32 $0xFFFFFFFF;
	p2 =	slt.u32 s8, $0xFFFFF086  }
0x1c: {  	p1 =	slt.u32 s9, $0xF7A;
	s5 =	simm.s32 @!p2 $0x0  }
0x1d: {  	s5 =	simm.s32 @p1 $0x1;
	p0 =	seq.s32 s7, s2  }
0x1e: {  	s7 =	smul.u32 @!p0 $0xF7A, s2;
	p2 =	seq.s32 @!p0 s5, $0x0  }
0x1f: {  	s9 =	smul.u32 $0xF7A, s1;
	s8 =	simm.s32 @!p0 $0x1BF5;
	p2 =	por !p2, p0  }
0x20: {  	[sflag:s8] =	ssyncset.s32 @!p0 $0xFFFFF086;
	s6 =	sadd.s32 @!p0 s3, s7;
	s7 =	simm.s32 @!p0 $0x108  }
0x21: {  	s3 =	sadd.s32 s3, s9;
	s6 =	sadd.s32 @!p0 $0x88, s6;
	s7 =	simm.s32 @p2 $0x1082  }
0x22: {  	[simem:s7], [sflag:s8] =	dma.local @!p0 [hbm:s6], $0xF7A  }
0x23: {  	s9 =	sor.u32 $0xD0000000, s2;
	s6 =	simm.s32 $0x108;
	_ =	swait.ge @!p0 [sflag:s8], $0x0  }
0x24: {  	s3 =	sadd.s32 $0x88, s3;
	s6 =	simm.s32 @!p1 $0x1082;
	[sflag:s4] =	ssyncset.s32 $0xFFFFF086  }
0x25: {  	[simem:s6], [sflag:s4] =	dma.local [hbm:s3], $0xF7A  }
0x26: {  	[smem:$0x3F9C] =	sst s1;
	(tag) =	ssettag s2;
	_ =	strace s9  }
0x27: {  	s1 =	sld [smem:$0x3FAC]  }
0x28: {  	s2 =	sld [smem:$0x3FAD]  }
0x29: {  	s4 =	sld [smem:$0x3FAF]  }
0x2a: {  	p0 =	seq.s32 s5, $0x0;
	s5 =	sld [smem:$0x3FB0]  }
0x2b: {  	s6 =	sld [smem:$0x3FB1]  }
0x2c: {  	s7 =	sld [smem:$0x3FB2]  }
0x2d: {  	s3 =	simm.s32 $0x108;
	s8 =	sld [smem:$0x3FB3]  }
0x2e: {  	s3 =	simm.s32 @!p0 $0x1082;
	s9 =	sld [smem:$0x3FB4]  }
0x2f: {  	lr =	sadd.s32 s0, s3;
	s0 =	sld [smem:$0x3FAB]  }
0x30: {  	s3 =	sld [smem:$0x3FAE]  }
0x31: {  	[smem:$0x3FB7] =	sst s10  }
0x32: {  	s10 =	sld [smem:$0x3FB5];
	_ =	sdelay $0x3  }
0x33: {  	p0 =	seq.s32 s10, $0x1;
	s10 =	sld [smem:$0x3FB7];
	_ =	sdelay $0x3  }
0x34: {  	[smem:$0x3FB7] =	sst s10  }
0x35: {  	s10 =	sld [smem:$0x3FB6];
	_ =	sdelay $0x3  }
0x36: {  	p1 =	seq.s32 s10, $0x1;
	s10 =	sld [smem:$0x3FB7];
	_ =	sdelay $0x3  }
0x37: {  	[smem:$0x3FB7] =	sst s10  }
0x38: {  	s10 =	sld [smem:$0x3FB8]  }
0x39: {  	_ = 	snop;
	(pc) =	sbr.ind lr, $3  }
0x3a: {  	_ = 	snop  }
0x3b: {  	_ = 	snop  }
0x3c: {  	p2 =	seq.s32 s10, $0x1;
	s10 =	sld [smem:$0x3FB7]  }
0x3d: {  	_ =	shalt  }
0x3e: {  	_ =	shalt  }
0x3f: {  	_ =	shalt  }
0x40: {  	_ =	shalt  }
0x41: {  	_ =	shalt  }
0x42: {  	_ =	shalt  }
0x43: {  	_ =	shalt  }
0x44: {  	_ =	shalt  }
0x45: {  	_ =	shalt  }
0x46: {  	_ =	shalt  }
0x47: {  	_ =	shalt  }
0x48: {  	_ =	shalt  }
0x49: {  	_ =	shalt  }
0x4a: {  	_ =	shalt  }
0x4b: {  	_ =	shalt  }
0x4c: {  	_ =	shalt  }
0x4d: {  	_ =	shalt  }
0x4e: {  	_ =	shalt  }
0x4f: {  	_ =	shalt  }
0x50: {  	_ =	shalt  }
0x51: {  	_ =	shalt  }
0x52: {  	_ =	shalt  }
0x53: {  	_ =	shalt  }
0x54: {  	_ =	shalt  }
0x55: {  	_ =	shalt  }
0x56: {  	_ =	shalt  }
0x57: {  	_ =	shalt  }
0x58: {  	_ =	shalt  }
0x59: {  	_ =	shalt  }
0x5a: {  	_ =	shalt  }
0x5b: {  	_ =	shalt  }
0x5c: {  	_ =	shalt  }
0x5d: {  	_ =	shalt  }
0x5e: {  	_ =	shalt  }
0x5f: {  	_ =	shalt  }
0x60: {  	_ =	shalt  }
0x61: {  	_ =	shalt  }
0x62: {  	_ =	shalt  }
0x63: {  	_ =	shalt  }
0x64: {  	_ =	shalt  }
0x65: {  	_ =	shalt  }
0x66: {  	_ =	shalt  }
0x67: {  	_ =	shalt  }
0x68: {  	_ =	shalt  }
0x69: {  	_ =	shalt  }
0x6a: {  	_ =	shalt  }
0x6b: {  	_ =	shalt  }
0x6c: {  	_ =	shalt  }
0x6d: {  	_ =	shalt  }
0x6e: {  	_ =	shalt  }
0x6f: {  	_ =	shalt  }
0x70: {  	_ =	shalt  }
0x71: {  	_ =	shalt  }
0x72: {  	_ =	shalt  }
0x73: {  	_ =	shalt  }
0x74: {  	_ =	shalt  }
0x75: {  	_ =	shalt  }
0x76: {  	_ =	shalt  }
0x77: {  	_ =	shalt  }
0x78: {  	_ =	shalt  }
0x79: {  	_ =	shalt  }
0x7a: {  	_ =	shalt  }
0x7b: {  	_ =	shalt  }
0x7c: {  	_ =	shalt  }
0x7d: {  	_ =	shalt  }
0x7e: {  	_ =	shalt  }
0x7f: {  	_ =	shalt  }
0x80: {  	_ =	shalt  }
0x81: {  	_ =	shalt  }
0x82: {  	_ =	shalt  }
0x83: {  	_ =	shalt  }
0x84: {  	_ =	shalt  }
0x85: {  	_ =	shalt  }
0x86: {  	_ =	shalt  }
0x87: {  	_ =	shalt  }
.Lfunc_end0:
.L_simem_size_0:
called_computation_lowered:
.L_overlay_start_0:
0x88: {  	s2 =	sld [smem:$0x3FD9]  }
0x89: {  	s3 =	sld [smem:$0x3FFE];
	_ =	sdelay $0x1  }
0x8a: {  	s1 =	srdreg.scid  }
0x8b: {  	s0 =	sand.u32 $0x1, s1  }
0x8c: {  	s17 =	sshll.u32 s0, $0xA;
	s2 =	sadd.s32 s3, s2  }
0x8d: {  	s2 =	sadd.s32 s2, s17  }
0x8e: {  	[smem:$0x3FC3] =	sst s2  }
0x8f: {  	_ = 	snop  }
0x90: {  	s2 =	sld [smem:$0x3FD0];
	(tm) =	ssettm $0x1  }
0x91: {  	s18 =	sld [smem:$0x3FFB];
	_ =	sdelay $0x3  }
0x92: {  	_ =	strace s18  }
0x93: {  	s3 =	sld [smem:$0x3FFC];
	_ =	sdelay $0x3  }
0x94: {  	_ =	strace s3  }
0x95: {  	s3 =	sld [smem:$0x3FFD];
	_ =	sdelay $0x3  }
0x96: {  	_ =	strace s3  }
0x97: {  	_ =	strace $0x8FFFFFFF  }
0x98: {  	s19 =	sld [smem:$0x3FDB];
	_ =	sdelay $0x1  }
0x99: {  	s4 =	simm.s32 $_scs_section_size  }
0x9a: {  	s5 =	simm.s32 $_size__tile_overlayer_lowered;
	s6 =	simm.s32 $_tile_overlayer_lowered  }
0x9b: {  	s22 =	simm.s32 $0x1BFF;
	s21 =	sshll.u32 s6, $0x1;
	s3 =	sadd.s32 s4, s19  }
0x9c: {  	s7 =	simm.s32 $0x0;
	s20 =	sshll.u32 s5, $0x1;
	s5 =	sadd.s32 s21, s3  }
0x9d: {  	[timem:s7], [sflag:s22] =	dma.local [hbm:s5], s20  }
0x9e: {  	_ =	swait.ge [sflag:s22], s20  }
0x9f: {  	s4 =	ssub.s32 $0x0, s20;
	[sflag:s22] =	ssyncset.done $0x0  }
0xa0: {  	[sflag:s22] =	ssyncadd.s32 s4;
	_ =	sdelay $0x1  }
0xa1: {  	s23 =	simm.s32 $0x1B8B  }
0xa2: {  	_ =	swait.ge [sflag:s23], $0x1  }
0xa3: {  	[sflag:s23] =	ssyncset.done $0x0  }
0xa4: {  	s25 =	simm.s32 $0x1B8E;
	s24 =	sld [smem:$0x3FFE];
	[sflag:s23] =	ssyncadd.s32 $0xFFFFFFFF  }
0xa5: {  	s26 =	simm.s32 $execute0_lowered;
	[smem:$0x3FD2] =	sst s25  }
0xa6: {  	s5 =	sshll.u32 s26, $0x1;
	_ =	strace $0x80000046;
	[dreg:$0x1] =	wrdreg $0xFFFFFFFF  }
0xa7: {  	s28 =	simm.s32 $_size_execute0_lowered;
	s3 =	sadd.s32 s3, s5;
	[dreg:$0x0] =	wrdreg $0x0  }
0xa8: {  	s5 =	sshll.u32 s28, $0x1;
	[dreg:$0x2] =	wrdreg s3  }
0xa9: {  	[dreg:$0x3] =	wrdreg s5  }
0xaa: {  	[dreg:$0x4] =	wrdreg $0xC0  }
0xab: {  	_ =	task [dreg:s7], $0x5FFFF  }
0xac: {  	[dreg:$0x1] =	wrdreg $0xFFFFFFFF  }
0xad: {  	[dreg:$0x0] =	wrdreg $0x60  }
0xae: {  	[dreg:$0x2] =	wrdreg s24  }
0xaf: {  	[dreg:$0x3] =	wrdreg s2  }
0xb0: {  	[dreg:$0x4] =	wrdreg $0x9  }
0xb1: {  	_ =	task.clear_ibuf [dreg:s7], $0x5FFFF;
	_ =	strace $0x90000046  }
0xb2: {  	s29 =	simm.s32 $0x9;
	_ =	strace $0x80000048  }
0xb3: {  	_ =	swait.ge [sflag:s29], $0x1  }
0xb4: {  	[sflag:s29] =	ssyncadd.s32 $0xFFFFFFFF  }
0xb5: {  	_ =	strace $0x90000048  }
0xb6: {  	_ =	sfence  }
0xb7: {  	s30 =	sld [smem:$0x0];
	_ =	sdelay $0x2  }
0xb8: {  	s31 =	sshll.u32 s1, $0xD;
	s1 =	sshrl.u32 s1, $0x2  }
0xb9: {  	s3 =	sand.u32 $0x4000, s31;
	s1 =	sadd.s32 s1, s30  }
0xba: {  	s0 =	sor.u32 s3, s0;
	s1 =	sshll.u32 s1, $0x11  }
0xbb: {  	s0 =	sor.u32 s1, s0  }
0xbc: {  	s0 =	sadd.s32 $0x8F2B, s0  }
0xbd: {  	[sflag:s0] =	ssyncadd.remote.s32 $0x1  }
0xbe: {  	_ =	sfence.sel $0xFFFF  }
0xbf: {  	[dreg:$0x0] =	wrdreg $0xFFFFFFFF;
	(pc) =	sbr.abs _section_cstart, $3  }
0xc0: {  	[dreg:$0x1] =	wrdreg $0xFFFFFFFF  }
0xc1: {  	_ =	task.clear_ibuf [dreg:s7], $0x2FFFF;
	_ =	strace $0x9FFFFFFF  }
0xc2: {  	(tm) =	ssettm $0x7FFFFFFF  }
0xc3: {  	_ =	shalt  }
tec
execute0_lowered:
.L_overlay_start_1:
0x0: {  	(tag) =	ssettag $0x1  }
0x1: {  	s0 =	rddreg [dreg:$0x0];
	s1 =	srdreg.scid  }
0x2: {  	s2 =	stileid.u32;
	s14 =	rddreg [dreg:$0x1]  }
0x3: {  	s3 =	simm.s32 $0x0;
	s1 =	sand.u32 $0x1, s1;
	s4 =	sshll.u32 s2, $0x1  }
0x4: {  	s16 =	simm.s32 $0x2;
	s17 =	simm.s32 $0x3;
	s5 =	sor.u32 s1, s4  }
0x5: {  	[smem:$0x7FF] =	sst s3;
	s1 =	ssub.s32 $0x2, s1;
	s7 =	smul.u32 $0x2800, s5  }
0x6: {  	s6 =	sadd.s32 $0xF43000, s0;
	s8 =	sshrl.u32 s1, $0x1;
	s24 =	smul.u32 $0x140000, s5  }
0x7: {  	_ =	strace $0x80000047;
	s4 =	sadd.s32 $0xC00, s0;
	s25 =	ssub.s32 s1, s8  }
0x8: {  	s9 =	sshrl.u32 s7, $0x3;
	s28 =	sor.u32 $0x100, s7;
	[dreg:$0x3] =	wrdreg s24  }
0x9: {  	s30 =	sor.u32 $0x180, s7;
	s0 =	smax.u32 s25, $0x1;
	[dreg:$0x6] =	wrdreg s28  }
.Ltmp0:
0xa: {  	s26 =	sadd.s32 s14, s9;
	[dreg:$0x7] =	wrdreg s30;
	(pc) =	sbr.rel .LBB2_1-.Ltmp0, $4  }
0xb: {  	s29 =	sshrl.u32 s24, $0x3;
	[dreg:$0x8] =	wrdreg s0;
	s1 =	sadd.s32 $0x10, s26  }
0xc: {  	s19 =	simm.s32 $0x4;
	[dreg:$0x5] =	wrdreg s1;
	s1 =	sadd.s32 s6, s29  }
0xd: {  	s21 =	simm.s32 $0x4100;
	[dreg:$0x4] =	wrdreg s26;
	s31 =	sadd.s32 $0x27000, s1  }
0xe: {  	s2 =	simm.s32 $0x0;
	s11 =	sor.u32 $0x4000, s24;
	[dreg:$0x9] =	wrdreg s31  }
.LBB2_12:
0xf: {  	s0 =	simm.s32 $0x5  }
0x10: {  	_ =	swait.ge [sflag:s0], $0x4000  }
0x11: {  	[sflag:s0] =	ssyncset.done $0x0  }
0x12: {  	s1 =	simm.s32 $0x6;
	[sflag:s0] =	ssyncadd.s32 $0xFFFFC000  }
0x13: {  	_ =	swait.ge [sflag:s1], $0x4000  }
0x14: {  	s2 =	rddreg [dreg:$0xa]  }
0x15: {  	s31 =	rddreg [dreg:$0x8];
	s2 =	sadd.s32 $0x1, s2  }
0x16: {  	p0 =	sne.s32 s2, s31  }
.Ltmp1:
0x17: {  	_ = 	snop;
	(pc) =	sbr.rel @!p0 .LBB2_13-.Ltmp1, $3  }
0x18: {  	_ =	sdelay $0x1  }
0x19: {  	[sflag:s1] =	ssyncset.done $0x0  }
0x1a: {  	[sflag:s1] =	ssyncadd.s32 $0xFFFFC000  }
.LBB2_1:
0x1b: {  	[dreg:$0xa] =	wrdreg s2  }
0x1c: {  	s0 =	rddreg [dreg:$0x4];
	s31 =	simm.s32 $0x1  }
0x1d: {  	[tilespmem:s3], [sflag:$0x1] =	stream.linear.gather [hbm4b:s0+s3], $0x80, $0x38;
	[tilespmem:$0x8100] =	vst v63  }
0x1e: {  	_ =	swait.ge [sflag:s31], $0x80  }
0x1f: {  	[sflag:s31] =	ssyncset.done $0x0  }
0x20: {  	[sflag:s31] =	ssyncadd.s32 $0xFFFFFF80  }
0x21: {  	v0 =	vld [tilespmem:s3+$0x0];
	_ =	sdelay $0x4  }
0x22: {  	v0 =	vshll.u32 v0, $0x4  }
0x23: {  	(v2sf) =	vpush v0, $0x0  }
0x24: {  	(v2sf) =	vpush v0, $0x1  }
0x25: {  	(v2sf) =	vpush v0, $0x2;
	_ =	sdelay $0x1  }
0x26: {  	(v2sf) =	vpush v0, $0x4;
	_ =	sdelay $0x1  }
0x27: {  	(v2sf) =	vpush v0, $0x3  }
0x28: {  	(v2sf) =	vpush v0, $0x5  }
0x29: {  	s25 =	simm.s32 $0x2000;
	s24 =	simm.s32 $0x0;
	s26 =	simm.s32 $0x0;
	(v2sf) =	vpush v0, $0x6  }
.LBB2_2:
0x2a: {  	p0 =	sne.s32 s25, $0xE000  }
0x2b: {  	s15 =	sadd.s32 $0x180, s24;
	s0 =	sadd.s32 $0x680, s24;
	s28 =	smov.u32 s25  }
0x2c: {  	s25 =	sadd.s32 $0x2000, s25;
	s7 =	sadd.s32 $0x480, s24;
	s29 =	sadd.s32 $0x700, s24;
	(v2sf) =	vpush v0, $0x7  }
0x2d: {  	s22 =	sadd.s32 $0x380, s24;
	s8 =	sadd.s32 $0x500, s24;
	s30 =	sadd.s32 $0x780, s24  }
0x2e: {  	s23 =	sadd.s32 $0x100, s24;
	s31 =	sadd.s32 $0x300, s24;
	(v2sf) =	vpush v0, $0x8  }
0x2f: {  	s2 =	sadd.s32 $0x400, s24;
	s26 =	sadd.s32 $0x10, s26  }
0x30: {  	s5 =	sadd.s32 $0x200, s24;
	s1 =	sadd.s32 $0x600, s24;
	s12 =	spop (v2sf);
	(v2sf) =	vpush v0, $0x9  }
0x31: {  	s9 =	sand.u32 $0x1FFFFFF0, s12;
	s12 =	sadd.s32 $0x580, s24;
	s10 =	spop (v2sf)  }
0x32: {  	s9 =	sadd.s32 s4, s9;
	s10 =	sand.u32 $0x1FFFFFF0, s10;
	s13 =	spop (v2sf);
	(v2sf) =	vpush v0, $0xA  }
0x33: {  	[tilespmem:s23], [sflag:$0x3] =	stream.linear.gather [hbm4b:s9+s3], $0x80, $0x38;
	[tilespmem:$0x8100] =	vst v63  }
0x34: {  	s9 =	sadd.s32 s4, s10;
	s10 =	sadd.s32 $0x280, s24;
	s23 =	spop (v2sf);
	(v2sf) =	vpush v0, $0xB  }
0x35: {  	[tilespmem:s15], [sflag:$0x3] =	stream.linear.gather [hbm4b:s9+s3], $0x80, $0x38;
	[tilespmem:$0x8100] =	vst v63  }
0x36: {  	s9 =	sand.u32 $0x1FFFFFF0, s13;
	s13 =	sand.u32 $0x1FFFFFF0, s23;
	s15 =	spop (v2sf);
	(v2sf) =	vpush v0, $0xC  }
0x37: {  	s9 =	sadd.s32 s4, s9;
	s15 =	sand.u32 $0x1FFFFFF0, s15;
	s23 =	spop (v2sf)  }
0x38: {  	[tilespmem:s5], [sflag:$0x3] =	stream.linear.gather [hbm4b:s9+s3], $0x80, $0x38;
	(v2sf) =	vpush v0, $0xD;
	[tilespmem:$0x8100] =	vst v63  }
0x39: {  	s5 =	sadd.s32 s4, s15;
	s9 =	sand.u32 $0x1FFFFFF0, s23;
	s15 =	spop (v2sf)  }
0x3a: {  	[tilespmem:s10], [sflag:$0x3] =	stream.linear.gather [hbm4b:s5+s3], $0x80, $0x38;
	(v2sf) =	vpush v0, $0xE;
	[tilespmem:$0x8100] =	vst v63  }
0x3b: {  	s5 =	sadd.s32 s4, s13;
	s10 =	sand.u32 $0x1FFFFFF0, s15;
	s13 =	spop (v2sf)  }
0x3c: {  	[tilespmem:s31], [sflag:$0x3] =	stream.linear.gather [hbm4b:s5+s3], $0x80, $0x38;
	(v2sf) =	vpush v0, $0xF;
	[tilespmem:$0x8100] =	vst v63  }
0x3d: {  	s5 =	sadd.s32 s4, s9;
	s9 =	sand.u32 $0x1FFFFFF0, s13;
	s13 =	spop (v2sf)  }
0x3e: {  	[tilespmem:s22], [sflag:$0x3] =	stream.linear.gather [hbm4b:s5+s3], $0x80, $0x38;
	[tilespmem:$0x8100] =	vst v63  }
0x3f: {  	s5 =	sadd.s32 s4, s10;
	s10 =	sand.u32 $0x1FFFFFF0, s13;
	s13 =	spop (v2sf)  }
0x40: {  	[tilespmem:s2], [sflag:$0x3] =	stream.linear.gather [hbm4b:s5+s3], $0x80, $0x38;
	[tilespmem:$0x8100] =	vst v63  }
0x41: {  	s2 =	sadd.s32 s4, s9;
	s5 =	sand.u32 $0x1FFFFFF0, s13;
	s9 =	spop (v2sf)  }
0x42: {  	[tilespmem:s7], [sflag:$0x3] =	stream.linear.gather [hbm4b:s2+s3], $0x80, $0x38;
	[tilespmem:$0x8100] =	vst v63  }
0x43: {  	s2 =	sadd.s32 s4, s10;
	s7 =	sand.u32 $0x1FFFFFF0, s9;
	s9 =	spop (v2sf)  }
0x44: {  	[tilespmem:s8], [sflag:$0x3] =	stream.linear.gather [hbm4b:s2+s3], $0x80, $0x38;
	[tilespmem:$0x8100] =	vst v63  }
0x45: {  	s2 =	sadd.s32 s4, s5;
	s5 =	sand.u32 $0x1FFFFFF0, s9;
	s8 =	spop (v2sf)  }
0x46: {  	[tilespmem:s12], [sflag:$0x3] =	stream.linear.gather [hbm4b:s2+s3], $0x80, $0x38;
	[tilespmem:$0x8100] =	vst v63  }
0x47: {  	s2 =	sadd.s32 s4, s7;
	s7 =	sand.u32 $0x1FFFFFF0, s8;
	s8 =	spop (v2sf)  }
0x48: {  	[tilespmem:s1], [sflag:$0x3] =	stream.linear.gather [hbm4b:s2+s3], $0x80, $0x38;
	[tilespmem:$0x8100] =	vst v63  }
0x49: {  	s1 =	sadd.s32 s4, s5;
	s2 =	sand.u32 $0x1FFFFFF0, s8;
	s5 =	spop (v2sf)  }
0x4a: {  	[tilespmem:s0], [sflag:$0x3] =	stream.linear.gather [hbm4b:s1+s3], $0x80, $0x38;
	[tilespmem:$0x8100] =	vst v63  }
0x4b: {  	s0 =	sadd.s32 s4, s7;
	s1 =	sand.u32 $0x1FFFFFF0, s5;
	s5 =	spop (v2sf)  }
0x4c: {  	[tilespmem:s29], [sflag:$0x3] =	stream.linear.gather [hbm4b:s0+s3], $0x80, $0x38;
	[tilespmem:$0x8100] =	vst v63  }
0x4d: {  	s0 =	sadd.s32 s4, s2;
	s2 =	sand.u32 $0x1FFFFFF0, s5  }
0x4e: {  	[tilespmem:s30], [sflag:$0x3] =	stream.linear.gather [hbm4b:s0+s3], $0x80, $0x38;
	[tilespmem:$0x8100] =	vst v63  }
0x4f: {  	s1 =	sadd.s32 s4, s1;
	s0 =	sadd.s32 $0x800, s24  }
0x50: {  	[tilespmem:s0], [sflag:$0x3] =	stream.linear.gather [hbm4b:s1+s3], $0x80, $0x38;
	[tilespmem:$0x8100] =	vst v63  }
0x51: {  	s0 =	sadd.s32 $0x880, s24;
	s1 =	sadd.s32 s4, s2  }
0x52: {  	[tilespmem:s0], [sflag:$0x3] =	stream.linear.gather [hbm4b:s1+s3], $0x80, $0x38;
	[tilespmem:$0x8100] =	vst v63  }
0x53: {  	v0 =	vld [tilespmem:s26+$0x0];
	_ =	sdelay $0x4  }
0x54: {  	v0 =	vshll.u32 v0, $0x4  }
0x55: {  	(v2sf) =	vpush v0, $0x0  }
0x56: {  	(v2sf) =	vpush v0, $0x1  }
0x57: {  	(v2sf) =	vpush v0, $0x2;
	_ =	sdelay $0x1  }
0x58: {  	(v2sf) =	vpush v0, $0x4  }
.Ltmp2:
0x59: {  	(pc) =	sbr.rel @p0 .LBB2_2-.Ltmp2, $3  }
0x5a: {  	(v2sf) =	vpush v0, $0x3  }
0x5b: {  	(v2sf) =	vpush v0, $0x5;
	_ =	sdelay $0x1  }
0x5c: {  	s24 =	sshra.s32 s28, $0x2;
	(v2sf) =	vpush v0, $0x6  }
0x5d: {  	_ =	sdelay $0x1  }
0x5e: {  	s2 =	sadd.s32 $0x180, s24  }
0x5f: {  	s7 =	sadd.s32 $0x680, s24;
	s5 =	sadd.s32 $0x480, s24;
	s0 =	sadd.s32 $0x700, s24;
	(v2sf) =	vpush v0, $0x7  }
0x60: {  	s8 =	sadd.s32 $0x380, s24;
	s9 =	sadd.s32 $0x500, s24;
	s10 =	sadd.s32 $0x100, s24  }
0x61: {  	s12 =	sadd.s32 $0x300, s24;
	s13 =	sadd.s32 $0x400, s24;
	(v2sf) =	vpush v0, $0x8;
	s15 =	spop (v2sf)  }
0x62: {  	s22 =	sadd.s32 $0x200, s24;
	s15 =	sand.u32 $0x1FFFFFF0, s15;
	s23 =	spop (v2sf)  }
0x63: {  	(v2sf) =	vpush v0, $0x9;
	s15 =	sadd.s32 s4, s15;
	s23 =	sand.u32 $0x1FFFFFF0, s23;
	s25 =	spop (v2sf)  }
0x64: {  	[tilespmem:s10], [sflag:$0x3] =	stream.linear.gather [hbm4b:s15+s3], $0x80, $0x38;
	[tilespmem:$0x8100] =	vst v63  }
0x65: {  	s26 =	sadd.s32 $0x280, s24;
	(v2sf) =	vpush v0, $0xA;
	s18 =	sadd.s32 s4, s23;
	s20 =	spop (v2sf)  }
0x66: {  	[tilespmem:s2], [sflag:$0x3] =	stream.linear.gather [hbm4b:s18+s3], $0x80, $0x38;
	[tilespmem:$0x8100] =	vst v63  }
0x67: {  	s10 =	sadd.s32 $0x600, s24;
	s25 =	sand.u32 $0x1FFFFFF0, s25;
	(v2sf) =	vpush v0, $0xB;
	s28 =	spop (v2sf)  }
0x68: {  	s15 =	sadd.s32 s4, s25;
	s2 =	sadd.s32 $0x580, s24;
	s25 =	sand.u32 $0x1FFFFFF0, s28  }
0x69: {  	(v2sf) =	vpush v0, $0xC;
	[tilespmem:s22], [sflag:$0x3] =	stream.linear.gather [hbm4b:s15+s3], $0x80, $0x38;
	[tilespmem:$0x8100] =	vst v63  }
0x6a: {  	s29 =	sand.u32 $0x1FFFFFF0, s20;
	s30 =	spop (v2sf);
	s31 =	sadd.s32 s4, s25  }
0x6b: {  	(v2sf) =	vpush v0, $0xD;
	[tilespmem:s26], [sflag:$0x3] =	stream.linear.gather [hbm4b:s31+s3], $0x80, $0x38;
	[tilespmem:$0x8100] =	vst v63  }
0x6c: {  	s15 =	sadd.s32 s4, s29;
	s22 =	sand.u32 $0x1FFFFFF0, s30;
	s18 =	spop (v2sf)  }
0x6d: {  	(v2sf) =	vpush v0, $0xE;
	[tilespmem:s12], [sflag:$0x3] =	stream.linear.gather [hbm4b:s15+s3], $0x80, $0x38;
	[tilespmem:$0x8100] =	vst v63  }
0x6e: {  	s22 =	sadd.s32 s4, s22;
	s20 =	sand.u32 $0x1FFFFFF0, s18;
	s23 =	spop (v2sf)  }
0x6f: {  	[tilespmem:s8], [sflag:$0x3] =	stream.linear.gather [hbm4b:s22+s3], $0x80, $0x38;
	[tilespmem:$0x8100] =	vst v63  }
0x70: {  	s25 =	sand.u32 $0x1FFFFFF0, s23;
	s26 =	spop (v2sf);
	s12 =	sadd.s32 s4, s20  }
0x71: {  	(v2sf) =	vpush v0, $0xF;
	[tilespmem:s13], [sflag:$0x3] =	stream.linear.gather [hbm4b:s12+s3], $0x80, $0x38;
	[tilespmem:$0x8100] =	vst v63  }
0x72: {  	s28 =	sand.u32 $0x1FFFFFF0, s26;
	s8 =	sadd.s32 s4, s25;
	s29 =	spop (v2sf)  }
0x73: {  	[tilespmem:s5], [sflag:$0x3] =	stream.linear.gather [hbm4b:s8+s3], $0x80, $0x38;
	[tilespmem:$0x8100] =	vst v63  }
0x74: {  	s12 =	sadd.s32 s4, s28;
	s30 =	sand.u32 $0x1FFFFFF0, s29;
	s31 =	spop (v2sf)  }
0x75: {  	[tilespmem:s9], [sflag:$0x3] =	stream.linear.gather [hbm4b:s12+s3], $0x80, $0x38;
	[tilespmem:$0x8100] =	vst v63  }
0x76: {  	s8 =	sand.u32 $0x1FFFFFF0, s31;
	s5 =	sadd.s32 s4, s30;
	s12 =	spop (v2sf)  }
0x77: {  	[tilespmem:s2], [sflag:$0x3] =	stream.linear.gather [hbm4b:s5+s3], $0x80, $0x38;
	[tilespmem:$0x8100] =	vst v63  }
0x78: {  	s8 =	sadd.s32 s4, s8;
	s13 =	sand.u32 $0x1FFFFFF0, s12;
	s15 =	spop (v2sf)  }
0x79: {  	[tilespmem:s10], [sflag:$0x3] =	stream.linear.gather [hbm4b:s8+s3], $0x80, $0x38;
	[tilespmem:$0x8100] =	vst v63  }
0x7a: {  	s2 =	sadd.s32 s4, s13;
	s5 =	sand.u32 $0x1FFFFFF0, s15;
	s18 =	spop (v2sf)  }
0x7b: {  	[tilespmem:s7], [sflag:$0x3] =	stream.linear.gather [hbm4b:s2+s3], $0x80, $0x38;
	[tilespmem:$0x8100] =	vst v63  }
0x7c: {  	s20 =	sand.u32 $0x1FFFFFF0, s18;
	s5 =	sadd.s32 s4, s5;
	s22 =	spop (v2sf)  }
0x7d: {  	[tilespmem:s0], [sflag:$0x3] =	stream.linear.gather [hbm4b:s5+s3], $0x80, $0x38;
	[tilespmem:$0x8100] =	vst v63  }
0x7e: {  	s1 =	sadd.s32 $0x780, s24;
	s23 =	sand.u32 $0x1FFFFFF0, s22;
	s2 =	sadd.s32 s4, s20  }
0x7f: {  	[tilespmem:s1], [sflag:$0x3] =	stream.linear.gather [hbm4b:s2+s3], $0x80, $0x38;
	[tilespmem:$0x8100] =	vst v63  }
0x80: {  	s28 =	sadd.s32 $0x800, s24;
	s25 =	spop (v2sf);
	s0 =	sadd.s32 s4, s23  }
0x81: {  	[tilespmem:s28], [sflag:$0x3] =	stream.linear.gather [hbm4b:s0+s3], $0x80, $0x38;
	[tilespmem:$0x8100] =	vst v63  }
.Ltmp3:
0x82: {  	s26 =	sand.u32 $0x1FFFFFF0, s25;
	(pc) =	sbr.rel .LBB2_4-.Ltmp3, $4  }
0x83: {  	s29 =	sadd.s32 $0x880, s24;
	s1 =	sadd.s32 s4, s26  }
0x84: {  	[tilespmem:s29], [sflag:$0x3] =	stream.linear.gather [hbm4b:s1+s3], $0x80, $0x38;
	[tilespmem:$0x8100] =	vst v63  }
0x85: {  	s24 =	simm.s32 $0x0;
	s30 =	rddreg [dreg:$0x5];
	s31 =	simm.s32 $0x80  }
0x86: {  	[tilespmem:s31], [sflag:$0x2] =	stream.linear.gather [hbm4b:s30+s24], $0x80, $0x38;
	[tilespmem:$0x8100] =	vst v63  }
.LBB2_10:
0x87: {  	_ =	swait.ge [sflag:s17], $0x4000  }
0x88: {  	[sflag:s17] =	ssyncset.done $0x0  }
0x89: {  	s1 =	simm.s32 $0x100;
	s0 =	rddreg [dreg:$0x9];
	[sflag:s17] =	ssyncadd.s32 $0xFFFFC000  }
0x8a: {  	[hbm4b:s0+s3] =	stream.linear.scatter [tilespmem:s1], [sflag:$0x5], $0x4000, $0x38;
	[tilespmem:$0x8100] =	vst v63  }
.LBB2_11:
0x8b: {  	s24 =	sadd.s32 $0x1, s24  }
0x8c: {  	p0 =	sne.s32 s24, $0x28  }
.Ltmp4:
0x8d: {  	_ = 	snop;
	(pc) =	sbr.rel @!p0 .LBB2_12-.Ltmp4, $4  }
0x8e: {  	_ =	swait.ge [sflag:s19], $0x4000;
	s0 =	sadd.s32 s25, s11  }
0x8f: {  	[sflag:s19] =	ssyncset.done $0x0;
	s0 =	sshrl.u32 s0, $0x3  }
0x90: {  	[sflag:s19] =	ssyncadd.s32 $0xFFFFC000;
	s0 =	sadd.s32 s6, s0  }
0x91: {  	[hbm4b:s0+s3] =	stream.linear.scatter [tilespmem:s21], [sflag:$0x6], $0x4000, $0x38;
	[tilespmem:$0x8100] =	vst v63  }
.LBB2_4:
0x92: {  	_ =	swait.ge [sflag:s16], $0x80  }
0x93: {  	p0 =	seq.s32 s24, $0x0;
	[sflag:s16] =	ssyncset.done $0x0  }
0x94: {  	s0 =	simm.s32 @!p0 $0x6;
	[sflag:s16] =	ssyncadd.s32 $0xFFFFFF80  }
0x95: {  	_ =	swait.ge @!p0 [sflag:s0], $0x4000  }
0x96: {  	[sflag:s0] =	ssyncset.done @!p0 $0x0  }
0x97: {  	s28 =	simm.s32 $0x80;
	[sflag:s0] =	ssyncadd.s32 @!p0 $0xFFFFC000  }
0x98: {  	v0 =	vld [tilespmem:s28+$0x0];
	_ =	sdelay $0x4  }
0x99: {  	v0 =	vshll.u32 v0, $0x4  }
0x9a: {  	(v2sf) =	vpush v0, $0x0  }
0x9b: {  	(v2sf) =	vpush v0, $0x1  }
0x9c: {  	(v2sf) =	vpush v0, $0x2;
	_ =	sdelay $0x1  }
0x9d: {  	(v2sf) =	vpush v0, $0x4;
	_ =	sdelay $0x1  }
0x9e: {  	(v2sf) =	vpush v0, $0x3  }
0x9f: {  	(v2sf) =	vpush v0, $0x5  }
0xa0: {  	s25 =	sshll.u32 s24, $0xF;
	s29 =	simm.s32 $0x2000;
	s26 =	simm.s32 $0x0;
	(v2sf) =	vpush v0, $0x6  }
.LBB2_5:
0xa1: {  	p0 =	sne.s32 s29, $0xE000  }
0xa2: {  	s2 =	sadd.s32 $0x4180, s26;
	s0 =	sadd.s32 $0x4680, s26;
	s30 =	smov.u32 s29  }
0xa3: {  	s29 =	sadd.s32 $0x2000, s29;
	s7 =	sadd.s32 $0x4480, s26;
	s31 =	sadd.s32 $0x4700, s26;
	(v2sf) =	vpush v0, $0x7  }
0xa4: {  	s23 =	sadd.s32 $0x4380, s26;
	s12 =	sadd.s32 $0x4500, s26;
	s1 =	sadd.s32 $0x4780, s26  }
0xa5: {  	s5 =	sadd.s32 $0x4100, s26;
	s9 =	sadd.s32 $0x4300, s26;
	(v2sf) =	vpush v0, $0x8  }
0xa6: {  	s10 =	sadd.s32 $0x4400, s26;
	s28 =	sadd.s32 $0x10, s28  }
0xa7: {  	s13 =	sadd.s32 $0x4200, s26;
	s8 =	sadd.s32 $0x4600, s26;
	s15 =	spop (v2sf);
	(v2sf) =	vpush v0, $0x9  }
0xa8: {  	s22 =	sadd.s32 $0x4580, s26;
	s15 =	sand.u32 $0x1FFFFFF0, s15;
	s18 =	spop (v2sf)  }
0xa9: {  	s15 =	sadd.s32 s4, s15;
	s18 =	sand.u32 $0x1FFFFFF0, s18;
	s20 =	spop (v2sf);
	(v2sf) =	vpush v0, $0xA  }
0xaa: {  	[tilespmem:s5], [sflag:$0x4] =	stream.linear.gather [hbm4b:s15+s3], $0x80, $0x38;
	[tilespmem:$0x8100] =	vst v63  }
0xab: {  	s5 =	sadd.s32 s4, s18;
	s15 =	sadd.s32 $0x4280, s26;
	s18 =	spop (v2sf);
	(v2sf) =	vpush v0, $0xB  }
0xac: {  	[tilespmem:s2], [sflag:$0x4] =	stream.linear.gather [hbm4b:s5+s3], $0x80, $0x38;
	[tilespmem:$0x8100] =	vst v63  }
0xad: {  	s2 =	sand.u32 $0x1FFFFFF0, s20;
	s5 =	sand.u32 $0x1FFFFFF0, s18;
	s18 =	spop (v2sf);
	(v2sf) =	vpush v0, $0xC  }
0xae: {  	s2 =	sadd.s32 s4, s2;
	s18 =	sand.u32 $0x1FFFFFF0, s18;
	s20 =	spop (v2sf)  }
0xaf: {  	[tilespmem:s13], [sflag:$0x4] =	stream.linear.gather [hbm4b:s2+s3], $0x80, $0x38;
	(v2sf) =	vpush v0, $0xD;
	[tilespmem:$0x8100] =	vst v63  }
0xb0: {  	s2 =	sadd.s32 s4, s18;
	s13 =	sand.u32 $0x1FFFFFF0, s20;
	s18 =	spop (v2sf)  }
0xb1: {  	[tilespmem:s15], [sflag:$0x4] =	stream.linear.gather [hbm4b:s2+s3], $0x80, $0x38;
	(v2sf) =	vpush v0, $0xE;
	[tilespmem:$0x8100] =	vst v63  }
0xb2: {  	s2 =	sadd.s32 s4, s5;
	s5 =	sand.u32 $0x1FFFFFF0, s18;
	s15 =	spop (v2sf)  }
0xb3: {  	[tilespmem:s9], [sflag:$0x4] =	stream.linear.gather [hbm4b:s2+s3], $0x80, $0x38;
	(v2sf) =	vpush v0, $0xF;
	[tilespmem:$0x8100] =	vst v63  }
0xb4: {  	s2 =	sadd.s32 s4, s13;
	s9 =	sand.u32 $0x1FFFFFF0, s15;
	s13 =	spop (v2sf)  }
0xb5: {  	[tilespmem:s23], [sflag:$0x4] =	stream.linear.gather [hbm4b:s2+s3], $0x80, $0x38;
	[tilespmem:$0x8100] =	vst v63  }
0xb6: {  	s2 =	sadd.s32 s4, s5;
	s5 =	sand.u32 $0x1FFFFFF0, s13;
	s13 =	spop (v2sf)  }
0xb7: {  	[tilespmem:s10], [sflag:$0x4] =	stream.linear.gather [hbm4b:s2+s3], $0x80, $0x38;
	[tilespmem:$0x8100] =	vst v63  }
0xb8: {  	s2 =	sadd.s32 s4, s9;
	s9 =	sand.u32 $0x1FFFFFF0, s13;
	s10 =	spop (v2sf)  }
0xb9: {  	[tilespmem:s7], [sflag:$0x4] =	stream.linear.gather [hbm4b:s2+s3], $0x80, $0x38;
	[tilespmem:$0x8100] =	vst v63  }
0xba: {  	s2 =	sadd.s32 s4, s5;
	s5 =	sand.u32 $0x1FFFFFF0, s10;
	s7 =	spop (v2sf)  }
0xbb: {  	[tilespmem:s12], [sflag:$0x4] =	stream.linear.gather [hbm4b:s2+s3], $0x80, $0x38;
	[tilespmem:$0x8100] =	vst v63  }
0xbc: {  	s2 =	sadd.s32 s4, s9;
	s7 =	sand.u32 $0x1FFFFFF0, s7;
	s9 =	spop (v2sf)  }
0xbd: {  	[tilespmem:s22], [sflag:$0x4] =	stream.linear.gather [hbm4b:s2+s3], $0x80, $0x38;
	[tilespmem:$0x8100] =	vst v63  }
0xbe: {  	s2 =	sadd.s32 s4, s5;
	s5 =	sand.u32 $0x1FFFFFF0, s9;
	s9 =	spop (v2sf)  }
0xbf: {  	[tilespmem:s8], [sflag:$0x4] =	stream.linear.gather [hbm4b:s2+s3], $0x80, $0x38;
	[tilespmem:$0x8100] =	vst v63  }
0xc0: {  	s2 =	sadd.s32 s4, s7;
	s7 =	sand.u32 $0x1FFFFFF0, s9;
	s8 =	spop (v2sf)  }
0xc1: {  	[tilespmem:s0], [sflag:$0x4] =	stream.linear.gather [hbm4b:s2+s3], $0x80, $0x38;
	[tilespmem:$0x8100] =	vst v63  }
0xc2: {  	s0 =	sadd.s32 s4, s5;
	s2 =	sand.u32 $0x1FFFFFF0, s8;
	s5 =	spop (v2sf)  }
0xc3: {  	[tilespmem:s31], [sflag:$0x4] =	stream.linear.gather [hbm4b:s0+s3], $0x80, $0x38;
	[tilespmem:$0x8100] =	vst v63  }
0xc4: {  	s0 =	sadd.s32 s4, s7;
	s5 =	sand.u32 $0x1FFFFFF0, s5  }
0xc5: {  	[tilespmem:s1], [sflag:$0x4] =	stream.linear.gather [hbm4b:s0+s3], $0x80, $0x38;
	[tilespmem:$0x8100] =	vst v63  }
0xc6: {  	s0 =	sadd.s32 $0x4800, s26;
	s1 =	sadd.s32 s4, s2  }
0xc7: {  	[tilespmem:s0], [sflag:$0x4] =	stream.linear.gather [hbm4b:s1+s3], $0x80, $0x38;
	[tilespmem:$0x8100] =	vst v63  }
0xc8: {  	s0 =	sadd.s32 $0x4880, s26;
	s1 =	sadd.s32 s4, s5  }
0xc9: {  	[tilespmem:s0], [sflag:$0x4] =	stream.linear.gather [hbm4b:s1+s3], $0x80, $0x38;
	[tilespmem:$0x8100] =	vst v63  }
0xca: {  	v0 =	vld [tilespmem:s28+$0x0];
	_ =	sdelay $0x4  }
0xcb: {  	v0 =	vshll.u32 v0, $0x4  }
0xcc: {  	(v2sf) =	vpush v0, $0x0  }
0xcd: {  	(v2sf) =	vpush v0, $0x1  }
0xce: {  	(v2sf) =	vpush v0, $0x2;
	_ =	sdelay $0x1  }
0xcf: {  	(v2sf) =	vpush v0, $0x4  }
.Ltmp5:
0xd0: {  	(pc) =	sbr.rel @p0 .LBB2_5-.Ltmp5, $3  }
0xd1: {  	(v2sf) =	vpush v0, $0x3  }
0xd2: {  	(v2sf) =	vpush v0, $0x5;
	_ =	sdelay $0x1  }
0xd3: {  	s26 =	sshra.s32 s30, $0x2;
	(v2sf) =	vpush v0, $0x6  }
0xd4: {  	_ =	sdelay $0x1  }
0xd5: {  	s2 =	sadd.s32 $0x4180, s26  }
0xd6: {  	s7 =	sadd.s32 $0x4680, s26;
	s5 =	sadd.s32 $0x4480, s26;
	s0 =	sadd.s32 $0x4700, s26;
	(v2sf) =	vpush v0, $0x7  }
0xd7: {  	s8 =	sadd.s32 $0x4380, s26;
	s9 =	sadd.s32 $0x4500, s26;
	s10 =	sadd.s32 $0x4100, s26  }
0xd8: {  	s12 =	sadd.s32 $0x4300, s26;
	s13 =	sadd.s32 $0x4400, s26;
	(v2sf) =	vpush v0, $0x8;
	s15 =	spop (v2sf)  }
0xd9: {  	s18 =	sadd.s32 $0x4200, s26;
	s15 =	sand.u32 $0x1FFFFFF0, s15;
	s20 =	spop (v2sf)  }
0xda: {  	(v2sf) =	vpush v0, $0x9;
	s15 =	sadd.s32 s4, s15;
	s20 =	sand.u32 $0x1FFFFFF0, s20;
	s22 =	spop (v2sf)  }
0xdb: {  	[tilespmem:s10], [sflag:$0x4] =	stream.linear.gather [hbm4b:s15+s3], $0x80, $0x38;
	[tilespmem:$0x8100] =	vst v63  }
0xdc: {  	(v2sf) =	vpush v0, $0xA;
	s23 =	sadd.s32 s4, s20;
	s29 =	sand.u32 $0x1FFFFFF0, s22;
	s28 =	spop (v2sf)  }
0xdd: {  	[tilespmem:s2], [sflag:$0x4] =	stream.linear.gather [hbm4b:s23+s3], $0x80, $0x38;
	[tilespmem:$0x8100] =	vst v63  }
0xde: {  	s10 =	sadd.s32 $0x4600, s26;
	(v2sf) =	vpush v0, $0xB;
	s15 =	sadd.s32 s4, s29;
	s30 =	spop (v2sf)  }
0xdf: {  	s2 =	sadd.s32 $0x4580, s26;
	s23 =	sadd.s32 $0x4280, s26;
	s22 =	sand.u32 $0x1FFFFFF0, s30  }
0xe0: {  	(v2sf) =	vpush v0, $0xC;
	[tilespmem:s18], [sflag:$0x4] =	stream.linear.gather [hbm4b:s15+s3], $0x80, $0x38;
	[tilespmem:$0x8100] =	vst v63  }
0xe1: {  	s31 =	sand.u32 $0x1FFFFFF0, s28;
	s28 =	spop (v2sf);
	s29 =	sadd.s32 s4, s22  }
0xe2: {  	(v2sf) =	vpush v0, $0xD;
	[tilespmem:s23], [sflag:$0x4] =	stream.linear.gather [hbm4b:s29+s3], $0x80, $0x38;
	[tilespmem:$0x8100] =	vst v63  }
0xe3: {  	s15 =	sadd.s32 s4, s31;
	s18 =	sand.u32 $0x1FFFFFF0, s28;
	s30 =	spop (v2sf)  }
0xe4: {  	[tilespmem:s12], [sflag:$0x4] =	stream.linear.gather [hbm4b:s15+s3], $0x80, $0x38;
	[tilespmem:$0x8100] =	vst v63  }
0xe5: {  	s18 =	sadd.s32 s4, s18;
	s31 =	sand.u32 $0x1FFFFFF0, s30;
	s20 =	spop (v2sf)  }
0xe6: {  	(v2sf) =	vpush v0, $0xE;
	[tilespmem:s8], [sflag:$0x4] =	stream.linear.gather [hbm4b:s18+s3], $0x80, $0x38;
	[tilespmem:$0x8100] =	vst v63  }
0xe7: {  	s22 =	sand.u32 $0x1FFFFFF0, s20;
	s23 =	spop (v2sf);
	s12 =	sadd.s32 s4, s31  }
0xe8: {  	(v2sf) =	vpush v0, $0xF;
	[tilespmem:s13], [sflag:$0x4] =	stream.linear.gather [hbm4b:s12+s3], $0x80, $0x38;
	[tilespmem:$0x8100] =	vst v63  }
0xe9: {  	s28 =	sand.u32 $0x1FFFFFF0, s23;
	s8 =	sadd.s32 s4, s22;
	s29 =	spop (v2sf)  }
0xea: {  	[tilespmem:s5], [sflag:$0x4] =	stream.linear.gather [hbm4b:s8+s3], $0x80, $0x38;
	[tilespmem:$0x8100] =	vst v63  }
0xeb: {  	s12 =	sadd.s32 s4, s28;
	s30 =	sand.u32 $0x1FFFFFF0, s29;
	s31 =	spop (v2sf)  }
0xec: {  	[tilespmem:s9], [sflag:$0x4] =	stream.linear.gather [hbm4b:s12+s3], $0x80, $0x38;
	[tilespmem:$0x8100] =	vst v63  }
0xed: {  	s8 =	sand.u32 $0x1FFFFFF0, s31;
	s5 =	sadd.s32 s4, s30;
	s12 =	spop (v2sf)  }
0xee: {  	[tilespmem:s2], [sflag:$0x4] =	stream.linear.gather [hbm4b:s5+s3], $0x80, $0x38;
	[tilespmem:$0x8100] =	vst v63  }
0xef: {  	s8 =	sadd.s32 s4, s8;
	s13 =	sand.u32 $0x1FFFFFF0, s12;
	s15 =	spop (v2sf)  }
0xf0: {  	[tilespmem:s10], [sflag:$0x4] =	stream.linear.gather [hbm4b:s8+s3], $0x80, $0x38;
	[tilespmem:$0x8100] =	vst v63  }
0xf1: {  	s2 =	sadd.s32 s4, s13;
	s5 =	sand.u32 $0x1FFFFFF0, s15;
	s18 =	spop (v2sf)  }
0xf2: {  	[tilespmem:s7], [sflag:$0x4] =	stream.linear.gather [hbm4b:s2+s3], $0x80, $0x38;
	[tilespmem:$0x8100] =	vst v63  }
0xf3: {  	s1 =	sadd.s32 $0x4780, s26;
	s20 =	sand.u32 $0x1FFFFFF0, s18;
	s5 =	sadd.s32 s4, s5  }
0xf4: {  	[tilespmem:s0], [sflag:$0x4] =	stream.linear.gather [hbm4b:s5+s3], $0x80, $0x38;
	[tilespmem:$0x8100] =	vst v63  }
0xf5: {  	p0 =	seq.s32 s24, $0x27;
	s22 =	spop (v2sf);
	s2 =	sadd.s32 s4, s20  }
0xf6: {  	[tilespmem:s1], [sflag:$0x4] =	stream.linear.gather [hbm4b:s2+s3], $0x80, $0x38;
	[tilespmem:$0x8100] =	vst v63  }
.Ltmp6:
0xf7: {  	s23 =	sand.u32 $0x1FFFFFF0, s22;
	s28 =	spop (v2sf);
	(pc) =	sbr.rel @p0 .LBB2_10-.Ltmp6, $4  }
0xf8: {  	s30 =	sadd.s32 $0x4800, s26;
	s29 =	sand.u32 $0x1FFFFFF0, s28;
	s0 =	sadd.s32 s4, s23  }
0xf9: {  	[tilespmem:s30], [sflag:$0x4] =	stream.linear.gather [hbm4b:s0+s3], $0x80, $0x38;
	[tilespmem:$0x8100] =	vst v63  }
0xfa: {  	s31 =	sadd.s32 $0x4880, s26;
	s1 =	sadd.s32 s4, s29  }
0xfb: {  	[tilespmem:s31], [sflag:$0x4] =	stream.linear.gather [hbm4b:s1+s3], $0x80, $0x38;
	[tilespmem:$0x8100] =	vst v63  }
0xfc: {  	s26 =	sshll.u32 s24, $0x8;
	s0 =	rddreg [dreg:$0x6]  }
0xfd: {  	s0 =	sadd.s32 s26, s0  }
0xfe: {  	s0 =	sshrl.u32 s0, $0x3  }
0xff: {  	s29 =	simm.s32 $0x0;
	s0 =	sadd.s32 s14, s0  }
0x100: {  	[tilespmem:s29], [sflag:$0x1] =	stream.linear.gather [hbm4b:s0+s29], $0x80, $0x38;
	[tilespmem:$0x8100] =	vst v63  }
0x101: {  	_ =	swait.ge [sflag:s17], $0x4000  }
0x102: {  	s22 =	rddreg [dreg:$0x3]  }
0x103: {  	s0 =	sadd.s32 s22, s25  }
0x104: {  	s1 =	simm.s32 $0x100;
	[sflag:s17] =	ssyncset.done $0x0;
	s0 =	sshrl.u32 s0, $0x3  }
0x105: {  	s23 =	simm.s32 $0x1;
	[sflag:s17] =	ssyncadd.s32 $0xFFFFC000;
	s0 =	sadd.s32 s6, s0  }
0x106: {  	[hbm4b:s0+s29] =	stream.linear.scatter [tilespmem:s1], [sflag:$0x5], $0x4000, $0x38;
	[tilespmem:$0x8100] =	vst v63  }
0x107: {  	_ =	swait.ge [sflag:s23], $0x80  }
0x108: {  	[sflag:s23] =	ssyncset.done $0x0  }
0x109: {  	s31 =	simm.s32 $0x5;
	[sflag:s23] =	ssyncadd.s32 $0xFFFFFF80  }
0x10a: {  	_ =	swait.ge [sflag:s31], $0x4000  }
0x10b: {  	[sflag:s31] =	ssyncset.done $0x0  }
0x10c: {  	[sflag:s31] =	ssyncadd.s32 $0xFFFFC000  }
0x10d: {  	v0 =	vld [tilespmem:s29+$0x0];
	_ =	sdelay $0x4  }
0x10e: {  	v0 =	vshll.u32 v0, $0x4  }
0x10f: {  	(v2sf) =	vpush v0, $0x0  }
0x110: {  	(v2sf) =	vpush v0, $0x1  }
0x111: {  	(v2sf) =	vpush v0, $0x2;
	_ =	sdelay $0x1  }
0x112: {  	(v2sf) =	vpush v0, $0x4;
	_ =	sdelay $0x1  }
0x113: {  	(v2sf) =	vpush v0, $0x3  }
0x114: {  	(v2sf) =	vpush v0, $0x5  }
0x115: {  	s21 =	smov.u32 s14;
	s30 =	simm.s32 $0x2000;
	s28 =	simm.s32 $0x0;
	(v2sf) =	vpush v0, $0x6  }
.LBB2_8:
0x116: {  	p0 =	sne.s32 s30, $0xE000  }
0x117: {  	s2 =	sadd.s32 $0x180, s28;
	s8 =	sadd.s32 $0x680, s28;
	s31 =	smov.u32 s30  }
0x118: {  	s30 =	sadd.s32 $0x2000, s30;
	s22 =	sadd.s32 $0x480, s28;
	s1 =	sadd.s32 $0x700, s28;
	(v2sf) =	vpush v0, $0x7  }
0x119: {  	s15 =	sadd.s32 $0x380, s28;
	s7 =	sadd.s32 $0x500, s28;
	s0 =	sadd.s32 $0x780, s28  }
0x11a: {  	s5 =	sadd.s32 $0x100, s28;
	s9 =	sadd.s32 $0x300, s28;
	(v2sf) =	vpush v0, $0x8  }
0x11b: {  	s10 =	sadd.s32 $0x400, s28;
	s29 =	sadd.s32 $0x10, s29  }
0x11c: {  	s13 =	sadd.s32 $0x200, s28;
	s12 =	sadd.s32 $0x600, s28;
	s18 =	spop (v2sf);
	(v2sf) =	vpush v0, $0x9  }
0x11d: {  	s23 =	sadd.s32 $0x580, s28;
	s18 =	sand.u32 $0x1FFFFFF0, s18;
	s20 =	spop (v2sf)  }
0x11e: {  	s18 =	sadd.s32 s4, s18;
	s20 =	sand.u32 $0x1FFFFFF0, s20;
	s14 =	spop (v2sf);
	(v2sf) =	vpush v0, $0xA  }
0x11f: {  	[tilespmem:s5], [sflag:$0x3] =	stream.linear.gather [hbm4b:s18+s3], $0x80, $0x38;
	[tilespmem:$0x8100] =	vst v63  }
0x120: {  	s5 =	sadd.s32 s4, s20;
	s18 =	sadd.s32 $0x280, s28;
	s20 =	spop (v2sf);
	(v2sf) =	vpush v0, $0xB  }
0x121: {  	[tilespmem:s2], [sflag:$0x3] =	stream.linear.gather [hbm4b:s5+s3], $0x80, $0x38;
	[tilespmem:$0x8100] =	vst v63  }
0x122: {  	s2 =	sand.u32 $0x1FFFFFF0, s14;
	s5 =	sand.u32 $0x1FFFFFF0, s20;
	s14 =	spop (v2sf);
	(v2sf) =	vpush v0, $0xC  }
0x123: {  	s2 =	sadd.s32 s4, s2;
	s14 =	sand.u32 $0x1FFFFFF0, s14;
	s20 =	spop (v2sf)  }
0x124: {  	[tilespmem:s13], [sflag:$0x3] =	stream.linear.gather [hbm4b:s2+s3], $0x80, $0x38;
	(v2sf) =	vpush v0, $0xD;
	[tilespmem:$0x8100] =	vst v63  }
0x125: {  	s2 =	sadd.s32 s4, s14;
	s13 =	sand.u32 $0x1FFFFFF0, s20;
	s14 =	spop (v2sf)  }
0x126: {  	[tilespmem:s18], [sflag:$0x3] =	stream.linear.gather [hbm4b:s2+s3], $0x80, $0x38;
	(v2sf) =	vpush v0, $0xE;
	[tilespmem:$0x8100] =	vst v63  }
0x127: {  	s2 =	sadd.s32 s4, s5;
	s5 =	sand.u32 $0x1FFFFFF0, s14;
	s14 =	spop (v2sf)  }
0x128: {  	[tilespmem:s9], [sflag:$0x3] =	stream.linear.gather [hbm4b:s2+s3], $0x80, $0x38;
	(v2sf) =	vpush v0, $0xF;
	[tilespmem:$0x8100] =	vst v63  }
0x129: {  	s2 =	sadd.s32 s4, s13;
	s9 =	sand.u32 $0x1FFFFFF0, s14;
	s13 =	spop (v2sf)  }
0x12a: {  	[tilespmem:s15], [sflag:$0x3] =	stream.linear.gather [hbm4b:s2+s3], $0x80, $0x38;
	[tilespmem:$0x8100] =	vst v63  }
0x12b: {  	s2 =	sadd.s32 s4, s5;
	s5 =	sand.u32 $0x1FFFFFF0, s13;
	s13 =	spop (v2sf)  }
0x12c: {  	[tilespmem:s10], [sflag:$0x3] =	stream.linear.gather [hbm4b:s2+s3], $0x80, $0x38;
	[tilespmem:$0x8100] =	vst v63  }
0x12d: {  	s2 =	sadd.s32 s4, s9;
	s9 =	sand.u32 $0x1FFFFFF0, s13;
	s10 =	spop (v2sf)  }
0x12e: {  	[tilespmem:s22], [sflag:$0x3] =	stream.linear.gather [hbm4b:s2+s3], $0x80, $0x38;
	[tilespmem:$0x8100] =	vst v63  }
0x12f: {  	s2 =	sadd.s32 s4, s5;
	s5 =	sand.u32 $0x1FFFFFF0, s10;
	s10 =	spop (v2sf)  }
0x130: {  	[tilespmem:s7], [sflag:$0x3] =	stream.linear.gather [hbm4b:s2+s3], $0x80, $0x38;
	[tilespmem:$0x8100] =	vst v63  }
0x131: {  	s2 =	sadd.s32 s4, s9;
	s7 =	sand.u32 $0x1FFFFFF0, s10;
	s9 =	spop (v2sf)  }
0x132: {  	[tilespmem:s23], [sflag:$0x3] =	stream.linear.gather [hbm4b:s2+s3], $0x80, $0x38;
	[tilespmem:$0x8100] =	vst v63  }
0x133: {  	s2 =	sadd.s32 s4, s5;
	s5 =	sand.u32 $0x1FFFFFF0, s9;
	s9 =	spop (v2sf)  }
0x134: {  	[tilespmem:s12], [sflag:$0x3] =	stream.linear.gather [hbm4b:s2+s3], $0x80, $0x38;
	[tilespmem:$0x8100] =	vst v63  }
0x135: {  	s2 =	sadd.s32 s4, s7;
	s7 =	sand.u32 $0x1FFFFFF0, s9;
	s9 =	spop (v2sf)  }
0x136: {  	[tilespmem:s8], [sflag:$0x3] =	stream.linear.gather [hbm4b:s2+s3], $0x80, $0x38;
	[tilespmem:$0x8100] =	vst v63  }
0x137: {  	s2 =	sadd.s32 s4, s5;
	s5 =	sand.u32 $0x1FFFFFF0, s9;
	s8 =	spop (v2sf)  }
0x138: {  	[tilespmem:s1], [sflag:$0x3] =	stream.linear.gather [hbm4b:s2+s3], $0x80, $0x38;
	[tilespmem:$0x8100] =	vst v63  }
0x139: {  	s1 =	sadd.s32 s4, s7;
	s2 =	sand.u32 $0x1FFFFFF0, s8  }
0x13a: {  	[tilespmem:s0], [sflag:$0x3] =	stream.linear.gather [hbm4b:s1+s3], $0x80, $0x38;
	[tilespmem:$0x8100] =	vst v63  }
0x13b: {  	s0 =	sadd.s32 $0x800, s28;
	s1 =	sadd.s32 s4, s5  }
0x13c: {  	[tilespmem:s0], [sflag:$0x3] =	stream.linear.gather [hbm4b:s1+s3], $0x80, $0x38;
	[tilespmem:$0x8100] =	vst v63  }
0x13d: {  	s0 =	sadd.s32 $0x880, s28;
	s1 =	sadd.s32 s4, s2  }
0x13e: {  	[tilespmem:s0], [sflag:$0x3] =	stream.linear.gather [hbm4b:s1+s3], $0x80, $0x38;
	[tilespmem:$0x8100] =	vst v63  }
0x13f: {  	v0 =	vld [tilespmem:s29+$0x0];
	_ =	sdelay $0x4  }
0x140: {  	v0 =	vshll.u32 v0, $0x4  }
0x141: {  	(v2sf) =	vpush v0, $0x0  }
0x142: {  	(v2sf) =	vpush v0, $0x1  }
0x143: {  	(v2sf) =	vpush v0, $0x2;
	_ =	sdelay $0x1  }
0x144: {  	(v2sf) =	vpush v0, $0x4  }
.Ltmp7:
0x145: {  	(pc) =	sbr.rel @p0 .LBB2_8-.Ltmp7, $3  }
0x146: {  	(v2sf) =	vpush v0, $0x3  }
0x147: {  	(v2sf) =	vpush v0, $0x5;
	_ =	sdelay $0x1  }
0x148: {  	s28 =	sshra.s32 s31, $0x2;
	(v2sf) =	vpush v0, $0x6  }
0x149: {  	_ =	sdelay $0x1  }
0x14a: {  	(v2sf) =	vpush v0, $0x7  }
0x14b: {  	s2 =	sadd.s32 $0x180, s28;
	s7 =	sadd.s32 $0x680, s28;
	s5 =	sadd.s32 $0x480, s28  }
0x14c: {  	s0 =	sadd.s32 $0x700, s28;
	s8 =	sadd.s32 $0x380, s28;
	s9 =	sadd.s32 $0x500, s28;
	(v2sf) =	vpush v0, $0x8  }
0x14d: {  	s1 =	sadd.s32 $0x780, s28;
	s10 =	sadd.s32 $0x100, s28;
	s14 =	spop (v2sf)  }
0x14e: {  	s12 =	sadd.s32 $0x300, s28;
	s14 =	sand.u32 $0x1FFFFFF0, s14;
	s18 =	spop (v2sf)  }
0x14f: {  	s14 =	sadd.s32 s4, s14;
	s18 =	sand.u32 $0x1FFFFFF0, s18;
	s20 =	spop (v2sf)  }
0x150: {  	(v2sf) =	vpush v0, $0x9;
	[tilespmem:s10], [sflag:$0x3] =	stream.linear.gather [hbm4b:s14+s3], $0x80, $0x38;
	[tilespmem:$0x8100] =	vst v63  }
0x151: {  	s13 =	sadd.s32 $0x400, s28;
	s30 =	sadd.s32 s4, s18;
	s31 =	spop (v2sf)  }
0x152: {  	(v2sf) =	vpush v0, $0xA;
	[tilespmem:s2], [sflag:$0x3] =	stream.linear.gather [hbm4b:s30+s3], $0x80, $0x38;
	[tilespmem:$0x8100] =	vst v63  }
0x153: {  	s15 =	sadd.s32 $0x200, s28;
	s23 =	sand.u32 $0x1FFFFFF0, s20;
	s29 =	spop (v2sf)  }
0x154: {  	s22 =	sadd.s32 $0x280, s28;
	(v2sf) =	vpush v0, $0xB;
	s14 =	sadd.s32 s4, s23;
	s20 =	sand.u32 $0x1FFFFFF0, s29  }
0x155: {  	[tilespmem:s15], [sflag:$0x3] =	stream.linear.gather [hbm4b:s14+s3], $0x80, $0x38;
	[tilespmem:$0x8100] =	vst v63  }
0x156: {  	s30 =	sand.u32 $0x1FFFFFF0, s31;
	(v2sf) =	vpush v0, $0xC;
	s31 =	spop (v2sf);
	s23 =	sadd.s32 s4, s20  }
0x157: {  	[tilespmem:s22], [sflag:$0x3] =	stream.linear.gather [hbm4b:s23+s3], $0x80, $0x38;
	[tilespmem:$0x8100] =	vst v63  }
0x158: {  	s10 =	sadd.s32 $0x600, s28;
	s2 =	sadd.s32 $0x580, s28;
	(v2sf) =	vpush v0, $0xD;
	s29 =	spop (v2sf)  }
0x159: {  	s14 =	sadd.s32 s4, s30;
	s15 =	sand.u32 $0x1FFFFFF0, s31;
	s31 =	spop (v2sf)  }
0x15a: {  	(v2sf) =	vpush v0, $0xE;
	[tilespmem:s12], [sflag:$0x3] =	stream.linear.gather [hbm4b:s14+s3], $0x80, $0x38;
	[tilespmem:$0x8100] =	vst v63  }
0x15b: {  	s15 =	sadd.s32 s4, s15;
	s30 =	sand.u32 $0x1FFFFFF0, s29;
	s20 =	spop (v2sf)  }
0x15c: {  	[tilespmem:s8], [sflag:$0x3] =	stream.linear.gather [hbm4b:s15+s3], $0x80, $0x38;
	[tilespmem:$0x8100] =	vst v63  }
0x15d: {  	s18 =	sand.u32 $0x1FFFFFF0, s31;
	s12 =	sadd.s32 s4, s30;
	s22 =	sand.u32 $0x1FFFFFF0, s20  }
0x15e: {  	(v2sf) =	vpush v0, $0xF;
	[tilespmem:s13], [sflag:$0x3] =	stream.linear.gather [hbm4b:s12+s3], $0x80, $0x38;
	[tilespmem:$0x8100] =	vst v63  }
0x15f: {  	s8 =	sadd.s32 s4, s18;
	s12 =	sadd.s32 s4, s22;
	s23 =	spop (v2sf)  }
0x160: {  	[tilespmem:s5], [sflag:$0x3] =	stream.linear.gather [hbm4b:s8+s3], $0x80, $0x38;
	[tilespmem:$0x8100] =	vst v63  }
0x161: {  	s29 =	sand.u32 $0x1FFFFFF0, s23;
	s30 =	spop (v2sf);
	s23 =	sadd.s32 $0x800, s28  }
0x162: {  	[tilespmem:s9], [sflag:$0x3] =	stream.linear.gather [hbm4b:s12+s3], $0x80, $0x38;
	[tilespmem:$0x8100] =	vst v63  }
0x163: {  	s8 =	sand.u32 $0x1FFFFFF0, s30;
	s5 =	sadd.s32 s4, s29;
	s31 =	spop (v2sf)  }
0x164: {  	[tilespmem:s2], [sflag:$0x3] =	stream.linear.gather [hbm4b:s5+s3], $0x80, $0x38;
	[tilespmem:$0x8100] =	vst v63  }
0x165: {  	s8 =	sadd.s32 s4, s8;
	s9 =	sand.u32 $0x1FFFFFF0, s31;
	s12 =	spop (v2sf)  }
0x166: {  	[tilespmem:s10], [sflag:$0x3] =	stream.linear.gather [hbm4b:s8+s3], $0x80, $0x38;
	[tilespmem:$0x8100] =	vst v63  }
0x167: {  	s2 =	sadd.s32 s4, s9;
	s5 =	sand.u32 $0x1FFFFFF0, s12;
	s13 =	spop (v2sf)  }
0x168: {  	[tilespmem:s7], [sflag:$0x3] =	stream.linear.gather [hbm4b:s2+s3], $0x80, $0x38;
	[tilespmem:$0x8100] =	vst v63  }
0x169: {  	s14 =	sand.u32 $0x1FFFFFF0, s13;
	s5 =	sadd.s32 s4, s5;
	s15 =	spop (v2sf)  }
0x16a: {  	[tilespmem:s0], [sflag:$0x3] =	stream.linear.gather [hbm4b:s5+s3], $0x80, $0x38;
	[tilespmem:$0x8100] =	vst v63  }
0x16b: {  	s29 =	sadd.s32 $0x880, s28;
	s18 =	sand.u32 $0x1FFFFFF0, s15;
	s2 =	sadd.s32 s4, s14  }
0x16c: {  	[tilespmem:s1], [sflag:$0x3] =	stream.linear.gather [hbm4b:s2+s3], $0x80, $0x38;
	[tilespmem:$0x8100] =	vst v63  }
0x16d: {  	s30 =	rddreg [dreg:$0x7];
	s20 =	spop (v2sf);
	s0 =	sadd.s32 s4, s18  }
0x16e: {  	[tilespmem:s23], [sflag:$0x3] =	stream.linear.gather [hbm4b:s0+s3], $0x80, $0x38;
	[tilespmem:$0x8100] =	vst v63  }
.Ltmp8:
0x16f: {  	s22 =	sand.u32 $0x1FFFFFF0, s20;
	s0 =	sadd.s32 s26, s30;
	(pc) =	sbr.rel .LBB2_11-.Ltmp8, $4  }
0x170: {  	s31 =	simm.s32 $0x80;
	s1 =	sadd.s32 s4, s22;
	s0 =	sshrl.u32 s0, $0x3  }
0x171: {  	[tilespmem:s29], [sflag:$0x3] =	stream.linear.gather [hbm4b:s1+s3], $0x80, $0x38;
	[tilespmem:$0x8100] =	vst v63  }
0x172: {  	s14 =	smov.u32 s21;
	s0 =	sadd.s32 s21, s0;
	s21 =	simm.s32 $0x4100  }
0x173: {  	[tilespmem:s31], [sflag:$0x2] =	stream.linear.gather [hbm4b:s0+s3], $0x80, $0x38;
	[tilespmem:$0x8100] =	vst v63  }
.LBB2_13:
0x174: {  	_ =	sfence.sel $0x180000  }
0x175: {  	[bflag:$0x0] =	sbarrier.arrive $0xFFFF  }
0x176: {  	_ =	strace $0x90000047  }
0x177: {  	s0 =	stileid.u32;
	[bflag:$0x2] =	sbarrier.arrive $0xFFFF  }
0x178: {  	p0 =	sne.s32 s0, $0x0;
	s0 =	rddreg [dreg:$0x2]  }
0x179: {  	s0 =	sadd.s32 @!p0 $0x100000, s0  }
0x17a: {  	[sflag:s0] =	ssyncadd.tile.s32 @!p0 $0x1;
	_ =	shalt  }
.Lfunc_end2:
_tile_overlayer_lowered:
.L_overlay_start_2:
0x17b: {  	(tag) =	ssettag $0x2  }
0x17c: {  	s0 =	rddreg [dreg:$0x0];
	s2 =	stileid.u32  }
0x17d: {  	s1 =	rddreg [dreg:$0x1];
	p0 =	sne.s32 s2, $0x0  }
0x17e: {  	s3 =	rddreg [dreg:$0x2];
	[bflag:$0x3] =	sbarrier.arrive $0xFFFF;
	s2 =	simm.s32 @!p0 $0x1C07  }
0x17f: {  	[timem:s3], [sflag:s2] =	dma.local @!p0 [hbm:s0], s1  }
0x180: {  	s0 =	simm.s32 @!p0 $0x7  }
0x181: {  	_ =	swait.ge @!p0 [sflag:s0], s1  }
0x182: {  	s1 =	ssub.s32 @!p0 $0x0, s1;
	[sflag:s0] =	ssyncset.done @!p0 $0x0  }
0x183: {  	[sflag:s0] =	ssyncadd.s32 @!p0 s1  }
0x184: {  	[bflag:$0x3] =	sbarrier.arrive $0xFFFF  }
0x185: {  	_ =	shalt  }

</sc_bundles>
